<compile_context>
chip_gen: v7x
topology: tpu7x:2x2x1
jax: 0.10.2.dev20260603
libtpu: 0.0.44.dev20260713+nightly
codegen_flags: <defaults>
</compile_context>

<pallas_src>
import functools

import jax
import jax.numpy as jnp
from jax import lax
from jax.experimental import pallas as pl
from jax.experimental.pallas import tpu as pltpu
from jax.experimental.pallas import tpu_sc as plsc

B = 8
M = 512
N = 16384
NBLK = 8
BLK = N // NBLK
BIG_I32 = 2**30

NC = 2
NS = 16
NW = NC * NS
TOTAL_KP = B * M
KPW = TOTAL_KP // NW
WPB = M // KPW
L = 16


IDX_BITS = 11
IDX_MASK = (1 << IDX_BITS) - 1


def _argmin_body(kpt_ref, pc_ref, out_ref, runkey, runblk):
    b = pl.program_id(0)
    n = pl.program_id(1)

    @pl.when(n == 0)
    def _init():
        runkey[...] = jnp.full((M, 1), jnp.inf, jnp.float32)
        runblk[...] = jnp.zeros((M, 1), jnp.int32)

    pcx = pc_ref[0, 0:1, :]
    pcy = pc_ref[0, 1:2, :]
    pcz = pc_ref[0, 2:3, :]
    pcn2 = pcx * pcx + pcy * pcy + pcz * pcz
    acc = kpt_ref[0, :, 3:4] + pcn2
    acc = acc + kpt_ref[0, :, 0:1] * pcx
    acc = acc + kpt_ref[0, :, 1:2] * pcy
    acc = acc + kpt_ref[0, :, 2:3] * pcz

    iota1 = lax.broadcasted_iota(jnp.int32, (M, BLK), 1)
    bits = lax.bitcast_convert_type(acc, jnp.int32)
    key = lax.bitcast_convert_type((bits & ~IDX_MASK) | iota1, jnp.float32)
    bkey = jnp.min(key, axis=1, keepdims=True)

    better = bkey < runkey[...]
    runkey[...] = jnp.where(better, bkey, runkey[...])
    runblk[...] = jnp.where(better, jnp.full((M, 1), n, jnp.int32),
                            runblk[...])

    @pl.when(n == NBLK - 1)
    def _fin():
        lidx = lax.bitcast_convert_type(runkey[...], jnp.int32) & IDX_MASK
        out_ref[...] = (runblk[...] * BLK + lidx + 3 * b * N)[None]


def _nn_indices(kpt, pc):
    return pl.pallas_call(
        _argmin_body,
        grid=(B, NBLK),
        in_specs=[
            pl.BlockSpec((1, M, 4), lambda b, n: (b, 0, 0)),
            pl.BlockSpec((1, 3, BLK), lambda b, n: (b, 0, n)),
        ],
        out_specs=pl.BlockSpec((1, M, 1), lambda b, n: (b, 0, 0)),
        out_shape=jax.ShapeDtypeStruct((B, M, 1), jnp.int32),
        scratch_shapes=[
            pltpu.VMEM((M, 1), jnp.float32),
            pltpu.VMEM((M, 1), jnp.int32),
        ],
    )(kpt, pc)


def _sc_loss_body(idx_hbm, pcf_hbm, snf_hbm, kpf_hbm, out_hbm,
                  idx_v, idy_v, idz_v, gx_v, gy_v, gz_v, hx_v, hy_v, hz_v,
                  kx_v, ky_v, kz_v, accb, redb, totb, shared, sem):
    cid = lax.axis_index("c")
    sid = lax.axis_index("s")
    wid = cid * NS + sid
    base = wid * KPW

    koff = 3 * (wid // WPB) * M + (wid % WPB) * KPW

    pltpu.sync_copy(idx_hbm.at[pl.ds(base, KPW)], idx_v)
    pltpu.sync_copy(kpf_hbm.at[pl.ds(koff, KPW)], kx_v)
    pltpu.sync_copy(kpf_hbm.at[pl.ds(koff + M, KPW)], ky_v)
    pltpu.sync_copy(kpf_hbm.at[pl.ds(koff + 2 * M, KPW)], kz_v)

    for t in range(KPW // L):
        c = pl.ds(t * L, L)
        v = idx_v[c]
        idy_v[c] = v + N
        idz_v[c] = v + 2 * N

    hs = [pltpu.async_copy(src.at[iv], dst, sem)
          for src, iv, dst in ((pcf_hbm, idx_v, gx_v),
                               (pcf_hbm, idy_v, gy_v),
                               (pcf_hbm, idz_v, gz_v),
                               (snf_hbm, idx_v, hx_v),
                               (snf_hbm, idy_v, hy_v),
                               (snf_hbm, idz_v, hz_v))]
    for h in hs:
        h.wait()

    acc = jnp.zeros((L,), jnp.float32)
    for t in range(KPW // L):
        c = pl.ds(t * L, L)
        ux = kx_v[c] - gx_v[c]
        uy = ky_v[c] - gy_v[c]
        uz = kz_v[c] - gz_v[c]
        dot = ux * hx_v[c] + uy * hy_v[c] + uz * hz_v[c]
        u2 = ux * ux + uy * uy + uz * uz
        acc = acc + (dot * dot) / jnp.maximum(u2, jnp.float32(1e-30))

    accb[...] = acc
    pltpu.sync_copy(accb, shared.at[pl.ds(sid * L, L)])
    plsc.subcore_barrier()

    @pl.when(sid == 0)
    def _finish():
        pltpu.sync_copy(shared, redb)
        sv = redb[pl.ds(0, L)]
        for r in range(1, NS):
            sv = sv + redb[pl.ds(r * L, L)]
        total = sv[0]
        for l in range(1, L):
            total = total + sv[l]
        total = total * jnp.float32(1.0 / TOTAL_KP)
        totb[...] = jnp.full((L,), total, jnp.float32)
        pltpu.sync_copy(totb, out_hbm.at[pl.ds(cid * L, L)])


@functools.cache
def _make_sc_loss():
    return functools.partial(
        pl.kernel,
        mesh=plsc.VectorSubcoreMesh(core_axis_name="c", subcore_axis_name="s"),
        out_type=jax.ShapeDtypeStruct((2 * L,), jnp.float32),
        scratch_types=(
            [pltpu.VMEM((KPW,), jnp.int32)] * 3
            + [pltpu.VMEM((KPW,), jnp.float32)] * 9
            + [
                pltpu.VMEM((L,), jnp.float32),
                pltpu.VMEM((NS * L,), jnp.float32),
                pltpu.VMEM((L,), jnp.float32),
                pltpu.VMEM_SHARED((NS * L,), jnp.float32),
                pltpu.SemaphoreType.DMA,
            ]
        ),
    )(_sc_loss_body)


def kernel(keypoint, pc_tgt, sn):
    kpt = jnp.transpose(keypoint, (0, 2, 1))
    kpn2 = jnp.sum(kpt * kpt, axis=2, keepdims=True)
    kpt4 = jnp.concatenate([kpt * -2.0, kpn2], axis=2)
    idx = _nn_indices(kpt4, pc_tgt).reshape(TOTAL_KP)
    out = _make_sc_loss()(
        idx,
        pc_tgt.reshape(3 * B * N),
        sn.reshape(3 * B * N),
        keypoint.reshape(3 * B * M),
    )
    return out[0] + out[L]

# --- scband reference (transcript-rebuilt; emitter-appended) ---
"""Pipeline reference for scband-keypoint-on-pcloss-66022237274634 (READ-ONLY COPY).

The authoritative reference and input builder live on the scoring server;
editing this copy changes nothing except your own understanding.
"""

import jax, jax.numpy as jnp
import numpy as np


def setup_inputs(seed: int = 0) -> dict:
    key = jax.random.key(seed)
    k1, k2, k3 = jax.random.split(key, 3)
    keypoint = jax.random.normal(k1, (8, 3, 512), dtype=jnp.float32)
    pc_tgt = jax.random.normal(k2, (8, 3, 16384), dtype=jnp.float32)
    sn = jax.random.normal(k3, (8, 3, 16384), dtype=jnp.float32)
    return {"keypoint": keypoint, "pc_tgt": pc_tgt, "sn": sn}


def reference(keypoint, pc_tgt, sn):
    kp = keypoint  # B,3,M
    pc = pc_tgt    # B,3,N
    B, _, M = kp.shape
    # pairwise distances: B x M x N
    diff = jnp.linalg.norm(kp[:, :, :, None] - pc[:, :, None, :], axis=1)
    keypoint_pc_min_I = jnp.argmin(diff, axis=2)  # B,M
    idx = jnp.broadcast_to(keypoint_pc_min_I[:, None, :], (B, 3, M))
    pc_selected = jnp.take_along_axis(pc, idx, axis=2)  # B,3,M
    sn_selected = jnp.take_along_axis(sn, idx, axis=2)  # B,3,M
    keypoint_minus_pc = kp - pc_selected  # B,3,M
    keypoint_minus_pc_norm = jnp.linalg.norm(keypoint_minus_pc, axis=1, keepdims=True)
    keypoint_minus_pc_normalized = keypoint_minus_pc / (keypoint_minus_pc_norm + 1e-07)
    # dot product of surface normal with (kp - nearest_pc) direction, squared
    dot = jnp.sum(sn_selected * keypoint_minus_pc_normalized, axis=1)  # B,M
    loss = dot ** 2
    return jnp.mean(loss)

if __name__ == "__main__":
    import jax
    _d = setup_inputs()
    print(jax.jit(kernel)(*tuple(_d.values())))

</pallas_src>

<mosaic_0001>
#map = affine_map<(d0, d1) -> (0)>
module attributes {stable_mosaic.version = 14 : i64} {
  func.func @_sc_loss_body(%arg0: i32, %arg1: i32, %arg2: memref<4096xi32, #tpu.memory_space<hbm>>, %arg3: memref<393216xf32, #tpu.memory_space<hbm>>, %arg4: memref<393216xf32, #tpu.memory_space<hbm>>, %arg5: memref<12288xf32, #tpu.memory_space<hbm>>, %arg6: memref<32xf32, #tpu.memory_space<hbm>>, %arg7: memref<128xi32, #tpu.memory_space<vmem>>, %arg8: memref<128xi32, #tpu.memory_space<vmem>>, %arg9: memref<128xi32, #tpu.memory_space<vmem>>, %arg10: memref<128xf32, #tpu.memory_space<vmem>>, %arg11: memref<128xf32, #tpu.memory_space<vmem>>, %arg12: memref<128xf32, #tpu.memory_space<vmem>>, %arg13: memref<128xf32, #tpu.memory_space<vmem>>, %arg14: memref<128xf32, #tpu.memory_space<vmem>>, %arg15: memref<128xf32, #tpu.memory_space<vmem>>, %arg16: memref<128xf32, #tpu.memory_space<vmem>>, %arg17: memref<128xf32, #tpu.memory_space<vmem>>, %arg18: memref<128xf32, #tpu.memory_space<vmem>>, %arg19: memref<16xf32, #tpu.memory_space<vmem>>, %arg20: memref<256xf32, #tpu.memory_space<vmem>>, %arg21: memref<16xf32, #tpu.memory_space<vmem>>, %arg22: memref<256xf32, #tpu.memory_space<vmem_shared>>, %arg23: memref<!tpu.dma_semaphore, #tpu.memory_space<semaphore_mem>>) attributes {dimension_semantics = [#tpu.dimension_semantics<core_parallel>, #tpu.dimension_semantics<subcore_parallel>], iteration_bounds = array<i64: 2, 16>, scalar_prefetch = 0 : i64, scratch_operands = 17 : i64, tpu.core_type = #tpu.core_type<sc_vector_subcore>, window_params = [{transform_indices = #map}, {transform_indices = #map}, {transform_indices = #map}, {transform_indices = #map}, {transform_indices = #map}]} {
    %mul3A = arith.constant 16 : i32
    %mul3A_0 = arith.muli %arg0, %mul3A : i32
    %add3A = arith.addi %mul3A_0, %arg1 : i32
    %mul3A_1 = arith.constant 128 : i32
    %mul3A_2 = arith.muli %add3A, %mul3A_1 : i32
    %jit3A = arith.constant 4 : i32
    %div3A = arith.divsi %add3A, %jit3A : i32
    %sign3A = arith.constant 0 : i32
    %sign3A_3 = arith.cmpi sgt, %add3A, %sign3A : i32
    %sign3A_4 = arith.extui %sign3A_3 : i1 to i32
    %sign3A_5 = arith.constant 0 : i32
    %sign3A_6 = arith.cmpi slt, %add3A, %sign3A_5 : i32
    %sign3A_7 = arith.extui %sign3A_6 : i1 to i32
    %sign3A_8 = arith.subi %sign3A_4, %sign3A_7 : i32
    %sign3A_9 = arith.constant 0 : i32
    %sign3A_10 = arith.cmpi sgt, %jit3A, %sign3A_9 : i32
    %sign3A_11 = arith.extui %sign3A_10 : i1 to i32
    %sign3A_12 = arith.constant 0 : i32
    %sign3A_13 = arith.cmpi slt, %jit3A, %sign3A_12 : i32
    %sign3A_14 = arith.extui %sign3A_13 : i1 to i32
    %sign3A_15 = arith.subi %sign3A_11, %sign3A_14 : i32
    %ne3A = arith.cmpi ne, %sign3A_8, %sign3A_15 : i32
    %rem3A = arith.remsi %add3A, %jit3A : i32
    %ne3A_16 = arith.constant 0 : i32
    %ne3A_17 = arith.cmpi ne, %rem3A, %ne3A_16 : i32
    %and3A = arith.andi %ne3A, %ne3A_17 : i1
    %sub3A = arith.constant 1 : i32
    %sub3A_18 = arith.subi %div3A, %sub3A : i32
    %select_n3A = arith.select %and3A, %sub3A_18, %div3A : i32
    %mul3A_19 = arith.constant 3 : i32
    %mul3A_20 = arith.muli %mul3A_19, %select_n3A : i32
    %mul3A_21 = arith.constant 512 : i32
    %mul3A_22 = arith.muli %mul3A_20, %mul3A_21 : i32
    %jit3A_23 = arith.constant 4 : i32
    %eq3A = arith.constant 0 : i32
    %eq3A_24 = arith.cmpi eq, %jit3A_23, %eq3A : i32
    %jit3A_25 = arith.constant 1 : i32
    %select_n3A_26 = arith.select %eq3A_24, %jit3A_25, %jit3A_23 : i32
    %rem3A_27 = arith.remsi %add3A, %select_n3A_26 : i32
    %ne3A_28 = arith.constant 0 : i32
    %ne3A_29 = arith.cmpi ne, %rem3A_27, %ne3A_28 : i32
    %lt3A = arith.constant 0 : i32
    %lt3A_30 = arith.cmpi slt, %rem3A_27, %lt3A : i32
    %lt3A_31 = arith.constant 0 : i32
    %lt3A_32 = arith.cmpi slt, %select_n3A_26, %lt3A_31 : i32
    %ne3A_33 = arith.xori %lt3A_30, %lt3A_32 : i1
    %and3A_34 = arith.andi %ne3A_33, %ne3A_29 : i1
    %add3A_35 = arith.addi %rem3A_27, %select_n3A_26 : i32
    %select_n3A_36 = arith.select %and3A_34, %add3A_35, %rem3A_27 : i32
    %mul3A_37 = arith.constant 128 : i32
    %mul3A_38 = arith.muli %select_n3A_36, %mul3A_37 : i32
    %add3A_39 = arith.addi %mul3A_22, %mul3A_38 : i32
    "tpu.region"() ({
      %run_scoped3A = tpu.sem_alloc : memref<!tpu.dma_semaphore, #tpu.memory_space<semaphore_mem>>
      %dma_start3A_577 = tpu.memref_slice %arg2[%mul3A_2] : memref<4096xi32, #tpu.memory_space<hbm>> -> memref<128xi32, #tpu.memory_space<hbm>>
      %dma_start3A_578 = tpu.memref_slice %arg2[%mul3A_2] : memref<4096xi32, #tpu.memory_space<hbm>> -> memref<128xi32, #tpu.memory_space<hbm>>
      tpu.enqueue_dma source(%dma_start3A_578 : memref<128xi32, #tpu.memory_space<hbm>>) target(%arg7 : memref<128xi32, #tpu.memory_space<vmem>>) target_semaphore(%run_scoped3A : memref<!tpu.dma_semaphore, #tpu.memory_space<semaphore_mem>>)
      %dma_wait3A_579 = tpu.memref_slice %arg2[%mul3A_2] : memref<4096xi32, #tpu.memory_space<hbm>> -> memref<128xi32, #tpu.memory_space<hbm>>
      %dma_wait3A_580 = tpu.memref_slice %arg2[%mul3A_2] : memref<4096xi32, #tpu.memory_space<hbm>> -> memref<128xi32, #tpu.memory_space<hbm>>
      tpu.wait_dma2 semaphore(%run_scoped3A : memref<!tpu.dma_semaphore, #tpu.memory_space<semaphore_mem>>) src(%dma_wait3A_580 : memref<128xi32, #tpu.memory_space<hbm>>) dst(%arg7 : memref<128xi32, #tpu.memory_space<vmem>>)
      tpu.yield
    }) : () -> ()
    "tpu.region"() ({
      %run_scoped3A = tpu.sem_alloc : memref<!tpu.dma_semaphore, #tpu.memory_space<semaphore_mem>>
      %dma_start3A_577 = tpu.memref_slice %arg5[%add3A_39] : memref<12288xf32, #tpu.memory_space<hbm>> -> memref<128xf32, #tpu.memory_space<hbm>>
      %dma_start3A_578 = tpu.memref_slice %arg5[%add3A_39] : memref<12288xf32, #tpu.memory_space<hbm>> -> memref<128xf32, #tpu.memory_space<hbm>>
      tpu.enqueue_dma source(%dma_start3A_578 : memref<128xf32, #tpu.memory_space<hbm>>) target(%arg16 : memref<128xf32, #tpu.memory_space<vmem>>) target_semaphore(%run_scoped3A : memref<!tpu.dma_semaphore, #tpu.memory_space<semaphore_mem>>)
      %dma_wait3A_579 = tpu.memref_slice %arg5[%add3A_39] : memref<12288xf32, #tpu.memory_space<hbm>> -> memref<128xf32, #tpu.memory_space<hbm>>
      %dma_wait3A_580 = tpu.memref_slice %arg5[%add3A_39] : memref<12288xf32, #tpu.memory_space<hbm>> -> memref<128xf32, #tpu.memory_space<hbm>>
      tpu.wait_dma2 semaphore(%run_scoped3A : memref<!tpu.dma_semaphore, #tpu.memory_space<semaphore_mem>>) src(%dma_wait3A_580 : memref<128xf32, #tpu.memory_space<hbm>>) dst(%arg16 : memref<128xf32, #tpu.memory_space<vmem>>)
      tpu.yield
    }) : () -> ()
    %add3A_40 = arith.constant 512 : i32
    %add3A_41 = arith.addi %add3A_39, %add3A_40 : i32
    "tpu.region"() ({
      %run_scoped3A = tpu.sem_alloc : memref<!tpu.dma_semaphore, #tpu.memory_space<semaphore_mem>>
      %dma_start3A_577 = tpu.memref_slice %arg5[%add3A_41] : memref<12288xf32, #tpu.memory_space<hbm>> -> memref<128xf32, #tpu.memory_space<hbm>>
      %dma_start3A_578 = tpu.memref_slice %arg5[%add3A_41] : memref<12288xf32, #tpu.memory_space<hbm>> -> memref<128xf32, #tpu.memory_space<hbm>>
      tpu.enqueue_dma source(%dma_start3A_578 : memref<128xf32, #tpu.memory_space<hbm>>) target(%arg17 : memref<128xf32, #tpu.memory_space<vmem>>) target_semaphore(%run_scoped3A : memref<!tpu.dma_semaphore, #tpu.memory_space<semaphore_mem>>)
      %dma_wait3A_579 = tpu.memref_slice %arg5[%add3A_41] : memref<12288xf32, #tpu.memory_space<hbm>> -> memref<128xf32, #tpu.memory_space<hbm>>
      %dma_wait3A_580 = tpu.memref_slice %arg5[%add3A_41] : memref<12288xf32, #tpu.memory_space<hbm>> -> memref<128xf32, #tpu.memory_space<hbm>>
      tpu.wait_dma2 semaphore(%run_scoped3A : memref<!tpu.dma_semaphore, #tpu.memory_space<semaphore_mem>>) src(%dma_wait3A_580 : memref<128xf32, #tpu.memory_space<hbm>>) dst(%arg17 : memref<128xf32, #tpu.memory_space<vmem>>)
      tpu.yield
    }) : () -> ()
    %add3A_42 = arith.constant 1024 : i32
    %add3A_43 = arith.addi %add3A_39, %add3A_42 : i32
    "tpu.region"() ({
      %run_scoped3A = tpu.sem_alloc : memref<!tpu.dma_semaphore, #tpu.memory_space<semaphore_mem>>
      %dma_start3A_577 = tpu.memref_slice %arg5[%add3A_43] : memref<12288xf32, #tpu.memory_space<hbm>> -> memref<128xf32, #tpu.memory_space<hbm>>
      %dma_start3A_578 = tpu.memref_slice %arg5[%add3A_43] : memref<12288xf32, #tpu.memory_space<hbm>> -> memref<128xf32, #tpu.memory_space<hbm>>
      tpu.enqueue_dma source(%dma_start3A_578 : memref<128xf32, #tpu.memory_space<hbm>>) target(%arg18 : memref<128xf32, #tpu.memory_space<vmem>>) target_semaphore(%run_scoped3A : memref<!tpu.dma_semaphore, #tpu.memory_space<semaphore_mem>>)
      %dma_wait3A_579 = tpu.memref_slice %arg5[%add3A_43] : memref<12288xf32, #tpu.memory_space<hbm>> -> memref<128xf32, #tpu.memory_space<hbm>>
      %dma_wait3A_580 = tpu.memref_slice %arg5[%add3A_43] : memref<12288xf32, #tpu.memory_space<hbm>> -> memref<128xf32, #tpu.memory_space<hbm>>
      tpu.wait_dma2 semaphore(%run_scoped3A : memref<!tpu.dma_semaphore, #tpu.memory_space<semaphore_mem>>) src(%dma_wait3A_580 : memref<128xf32, #tpu.memory_space<hbm>>) dst(%arg18 : memref<128xf32, #tpu.memory_space<vmem>>)
      tpu.yield
    }) : () -> ()
    %get3A = arith.constant 0 : index
    %get3A_44 = tpu.vector_load %arg7[%get3A] {strides = array<i32>} : memref<128xi32, #tpu.memory_space<vmem>>, vector<16xi32>,
    %get3A_45 = vector.shape_cast %get3A_44 : vector<16xi32> to vector<16xi32>
    %add3A_46 = arith.constant 16384 : i32
    %add3A_47 = vector.broadcast %add3A_46 : i32 to vector<16xi32>
    %add3A_48 = arith.addi %get3A_45, %add3A_47 : vector<16xi32>
    %swap3A = arith.constant 0 : index
    %swap3A_49 = tpu.vector_load %arg8[%swap3A] {strides = array<i32>} : memref<128xi32, #tpu.memory_space<vmem>>, vector<16xi32>,
    %swap3A_50 = vector.shape_cast %swap3A_49 : vector<16xi32> to vector<16xi32>
    %swap3A_51 = vector.shape_cast %add3A_48 : vector<16xi32> to vector<16xi32>
    tpu.vector_store %arg8[%swap3A], %swap3A_51 {strides = array<i32>} : memref<128xi32, #tpu.memory_space<vmem>>, vector<16xi32>,
    %add3A_52 = arith.constant 32768 : i32
    %add3A_53 = vector.broadcast %add3A_52 : i32 to vector<16xi32>
    %add3A_54 = arith.addi %get3A_45, %add3A_53 : vector<16xi32>
    %swap3A_55 = arith.constant 0 : index
    %swap3A_56 = tpu.vector_load %arg9[%swap3A_55] {strides = array<i32>} : memref<128xi32, #tpu.memory_space<vmem>>, vector<16xi32>,
    %swap3A_57 = vector.shape_cast %swap3A_56 : vector<16xi32> to vector<16xi32>
    %swap3A_58 = vector.shape_cast %add3A_54 : vector<16xi32> to vector<16xi32>
    tpu.vector_store %arg9[%swap3A_55], %swap3A_58 {strides = array<i32>} : memref<128xi32, #tpu.memory_space<vmem>>, vector<16xi32>,
    %get3A_59 = arith.constant 16 : index
    %get3A_60 = tpu.vector_load %arg7[%get3A_59] {strides = array<i32>} : memref<128xi32, #tpu.memory_space<vmem>>, vector<16xi32>,
    %get3A_61 = vector.shape_cast %get3A_60 : vector<16xi32> to vector<16xi32>
    %add3A_62 = arith.constant 16384 : i32
    %add3A_63 = vector.broadcast %add3A_62 : i32 to vector<16xi32>
    %add3A_64 = arith.addi %get3A_61, %add3A_63 : vector<16xi32>
    %swap3A_65 = arith.constant 16 : index
    %swap3A_66 = tpu.vector_load %arg8[%swap3A_65] {strides = array<i32>} : memref<128xi32, #tpu.memory_space<vmem>>, vector<16xi32>,
    %swap3A_67 = vector.shape_cast %swap3A_66 : vector<16xi32> to vector<16xi32>
    %swap3A_68 = vector.shape_cast %add3A_64 : vector<16xi32> to vector<16xi32>
    tpu.vector_store %arg8[%swap3A_65], %swap3A_68 {strides = array<i32>} : memref<128xi32, #tpu.memory_space<vmem>>, vector<16xi32>,
    %add3A_69 = arith.constant 32768 : i32
    %add3A_70 = vector.broadcast %add3A_69 : i32 to vector<16xi32>
    %add3A_71 = arith.addi %get3A_61, %add3A_70 : vector<16xi32>
    %swap3A_72 = arith.constant 16 : index
    %swap3A_73 = tpu.vector_load %arg9[%swap3A_72] {strides = array<i32>} : memref<128xi32, #tpu.memory_space<vmem>>, vector<16xi32>,
    %swap3A_74 = vector.shape_cast %swap3A_73 : vector<16xi32> to vector<16xi32>
    %swap3A_75 = vector.shape_cast %add3A_71 : vector<16xi32> to vector<16xi32>
    tpu.vector_store %arg9[%swap3A_72], %swap3A_75 {strides = array<i32>} : memref<128xi32, #tpu.memory_space<vmem>>, vector<16xi32>,
    %get3A_76 = arith.constant 32 : index
    %get3A_77 = tpu.vector_load %arg7[%get3A_76] {strides = array<i32>} : memref<128xi32, #tpu.memory_space<vmem>>, vector<16xi32>,
    %get3A_78 = vector.shape_cast %get3A_77 : vector<16xi32> to vector<16xi32>
    %add3A_79 = arith.constant 16384 : i32
    %add3A_80 = vector.broadcast %add3A_79 : i32 to vector<16xi32>
    %add3A_81 = arith.addi %get3A_78, %add3A_80 : vector<16xi32>
    %swap3A_82 = arith.constant 32 : index
    %swap3A_83 = tpu.vector_load %arg8[%swap3A_82] {strides = array<i32>} : memref<128xi32, #tpu.memory_space<vmem>>, vector<16xi32>,
    %swap3A_84 = vector.shape_cast %swap3A_83 : vector<16xi32> to vector<16xi32>
    %swap3A_85 = vector.shape_cast %add3A_81 : vector<16xi32> to vector<16xi32>
    tpu.vector_store %arg8[%swap3A_82], %swap3A_85 {strides = array<i32>} : memref<128xi32, #tpu.memory_space<vmem>>, vector<16xi32>,
    %add3A_86 = arith.constant 32768 : i32
    %add3A_87 = vector.broadcast %add3A_86 : i32 to vector<16xi32>
    %add3A_88 = arith.addi %get3A_78, %add3A_87 : vector<16xi32>
    %swap3A_89 = arith.constant 32 : index
    %swap3A_90 = tpu.vector_load %arg9[%swap3A_89] {strides = array<i32>} : memref<128xi32, #tpu.memory_space<vmem>>, vector<16xi32>,
    %swap3A_91 = vector.shape_cast %swap3A_90 : vector<16xi32> to vector<16xi32>
    %swap3A_92 = vector.shape_cast %add3A_88 : vector<16xi32> to vector<16xi32>
    tpu.vector_store %arg9[%swap3A_89], %swap3A_92 {strides = array<i32>} : memref<128xi32, #tpu.memory_space<vmem>>, vector<16xi32>,
    %get3A_93 = arith.constant 48 : index
    %get3A_94 = tpu.vector_load %arg7[%get3A_93] {strides = array<i32>} : memref<128xi32, #tpu.memory_space<vmem>>, vector<16xi32>,
    %get3A_95 = vector.shape_cast %get3A_94 : vector<16xi32> to vector<16xi32>
    %add3A_96 = arith.constant 16384 : i32
    %add3A_97 = vector.broadcast %add3A_96 : i32 to vector<16xi32>
    %add3A_98 = arith.addi %get3A_95, %add3A_97 : vector<16xi32>
    %swap3A_99 = arith.constant 48 : index
    %swap3A_100 = tpu.vector_load %arg8[%swap3A_99] {strides = array<i32>} : memref<128xi32, #tpu.memory_space<vmem>>, vector<16xi32>,
    %swap3A_101 = vector.shape_cast %swap3A_100 : vector<16xi32> to vector<16xi32>
    %swap3A_102 = vector.shape_cast %add3A_98 : vector<16xi32> to vector<16xi32>
    tpu.vector_store %arg8[%swap3A_99], %swap3A_102 {strides = array<i32>} : memref<128xi32, #tpu.memory_space<vmem>>, vector<16xi32>,
    %add3A_103 = arith.constant 32768 : i32
    %add3A_104 = vector.broadcast %add3A_103 : i32 to vector<16xi32>
    %add3A_105 = arith.addi %get3A_95, %add3A_104 : vector<16xi32>
    %swap3A_106 = arith.constant 48 : index
    %swap3A_107 = tpu.vector_load %arg9[%swap3A_106] {strides = array<i32>} : memref<128xi32, #tpu.memory_space<vmem>>, vector<16xi32>,
    %swap3A_108 = vector.shape_cast %swap3A_107 : vector<16xi32> to vector<16xi32>
    %swap3A_109 = vector.shape_cast %add3A_105 : vector<16xi32> to vector<16xi32>
    tpu.vector_store %arg9[%swap3A_106], %swap3A_109 {strides = array<i32>} : memref<128xi32, #tpu.memory_space<vmem>>, vector<16xi32>,
    %get3A_110 = arith.constant 64 : index
    %get3A_111 = tpu.vector_load %arg7[%get3A_110] {strides = array<i32>} : memref<128xi32, #tpu.memory_space<vmem>>, vector<16xi32>,
    %get3A_112 = vector.shape_cast %get3A_111 : vector<16xi32> to vector<16xi32>
    %add3A_113 = arith.constant 16384 : i32
    %add3A_114 = vector.broadcast %add3A_113 : i32 to vector<16xi32>
    %add3A_115 = arith.addi %get3A_112, %add3A_114 : vector<16xi32>
    %swap3A_116 = arith.constant 64 : index
    %swap3A_117 = tpu.vector_load %arg8[%swap3A_116] {strides = array<i32>} : memref<128xi32, #tpu.memory_space<vmem>>, vector<16xi32>,
    %swap3A_118 = vector.shape_cast %swap3A_117 : vector<16xi32> to vector<16xi32>
    %swap3A_119 = vector.shape_cast %add3A_115 : vector<16xi32> to vector<16xi32>
    tpu.vector_store %arg8[%swap3A_116], %swap3A_119 {strides = array<i32>} : memref<128xi32, #tpu.memory_space<vmem>>, vector<16xi32>,
    %add3A_120 = arith.constant 32768 : i32
    %add3A_121 = vector.broadcast %add3A_120 : i32 to vector<16xi32>
    %add3A_122 = arith.addi %get3A_112, %add3A_121 : vector<16xi32>
    %swap3A_123 = arith.constant 64 : index
    %swap3A_124 = tpu.vector_load %arg9[%swap3A_123] {strides = array<i32>} : memref<128xi32, #tpu.memory_space<vmem>>, vector<16xi32>,
    %swap3A_125 = vector.shape_cast %swap3A_124 : vector<16xi32> to vector<16xi32>
    %swap3A_126 = vector.shape_cast %add3A_122 : vector<16xi32> to vector<16xi32>
    tpu.vector_store %arg9[%swap3A_123], %swap3A_126 {strides = array<i32>} : memref<128xi32, #tpu.memory_space<vmem>>, vector<16xi32>,
    %get3A_127 = arith.constant 80 : index
    %get3A_128 = tpu.vector_load %arg7[%get3A_127] {strides = array<i32>} : memref<128xi32, #tpu.memory_space<vmem>>, vector<16xi32>,
    %get3A_129 = vector.shape_cast %get3A_128 : vector<16xi32> to vector<16xi32>
    %add3A_130 = arith.constant 16384 : i32
    %add3A_131 = vector.broadcast %add3A_130 : i32 to vector<16xi32>
    %add3A_132 = arith.addi %get3A_129, %add3A_131 : vector<16xi32>
    %swap3A_133 = arith.constant 80 : index
    %swap3A_134 = tpu.vector_load %arg8[%swap3A_133] {strides = array<i32>} : memref<128xi32, #tpu.memory_space<vmem>>, vector<16xi32>,
    %swap3A_135 = vector.shape_cast %swap3A_134 : vector<16xi32> to vector<16xi32>
    %swap3A_136 = vector.shape_cast %add3A_132 : vector<16xi32> to vector<16xi32>
    tpu.vector_store %arg8[%swap3A_133], %swap3A_136 {strides = array<i32>} : memref<128xi32, #tpu.memory_space<vmem>>, vector<16xi32>,
    %add3A_137 = arith.constant 32768 : i32
    %add3A_138 = vector.broadcast %add3A_137 : i32 to vector<16xi32>
    %add3A_139 = arith.addi %get3A_129, %add3A_138 : vector<16xi32>
    %swap3A_140 = arith.constant 80 : index
    %swap3A_141 = tpu.vector_load %arg9[%swap3A_140] {strides = array<i32>} : memref<128xi32, #tpu.memory_space<vmem>>, vector<16xi32>,
    %swap3A_142 = vector.shape_cast %swap3A_141 : vector<16xi32> to vector<16xi32>
    %swap3A_143 = vector.shape_cast %add3A_139 : vector<16xi32> to vector<16xi32>
    tpu.vector_store %arg9[%swap3A_140], %swap3A_143 {strides = array<i32>} : memref<128xi32, #tpu.memory_space<vmem>>, vector<16xi32>,
    %get3A_144 = arith.constant 96 : index
    %get3A_145 = tpu.vector_load %arg7[%get3A_144] {strides = array<i32>} : memref<128xi32, #tpu.memory_space<vmem>>, vector<16xi32>,
    %get3A_146 = vector.shape_cast %get3A_145 : vector<16xi32> to vector<16xi32>
    %add3A_147 = arith.constant 16384 : i32
    %add3A_148 = vector.broadcast %add3A_147 : i32 to vector<16xi32>
    %add3A_149 = arith.addi %get3A_146, %add3A_148 : vector<16xi32>
    %swap3A_150 = arith.constant 96 : index
    %swap3A_151 = tpu.vector_load %arg8[%swap3A_150] {strides = array<i32>} : memref<128xi32, #tpu.memory_space<vmem>>, vector<16xi32>,
    %swap3A_152 = vector.shape_cast %swap3A_151 : vector<16xi32> to vector<16xi32>
    %swap3A_153 = vector.shape_cast %add3A_149 : vector<16xi32> to vector<16xi32>
    tpu.vector_store %arg8[%swap3A_150], %swap3A_153 {strides = array<i32>} : memref<128xi32, #tpu.memory_space<vmem>>, vector<16xi32>,
    %add3A_154 = arith.constant 32768 : i32
    %add3A_155 = vector.broadcast %add3A_154 : i32 to vector<16xi32>
    %add3A_156 = arith.addi %get3A_146, %add3A_155 : vector<16xi32>
    %swap3A_157 = arith.constant 96 : index
    %swap3A_158 = tpu.vector_load %arg9[%swap3A_157] {strides = array<i32>} : memref<128xi32, #tpu.memory_space<vmem>>, vector<16xi32>,
    %swap3A_159 = vector.shape_cast %swap3A_158 : vector<16xi32> to vector<16xi32>
    %swap3A_160 = vector.shape_cast %add3A_156 : vector<16xi32> to vector<16xi32>
    tpu.vector_store %arg9[%swap3A_157], %swap3A_160 {strides = array<i32>} : memref<128xi32, #tpu.memory_space<vmem>>, vector<16xi32>,
    %get3A_161 = arith.constant 112 : index
    %get3A_162 = tpu.vector_load %arg7[%get3A_161] {strides = array<i32>} : memref<128xi32, #tpu.memory_space<vmem>>, vector<16xi32>,
    %get3A_163 = vector.shape_cast %get3A_162 : vector<16xi32> to vector<16xi32>
    %add3A_164 = arith.constant 16384 : i32
    %add3A_165 = vector.broadcast %add3A_164 : i32 to vector<16xi32>
    %add3A_166 = arith.addi %get3A_163, %add3A_165 : vector<16xi32>
    %swap3A_167 = arith.constant 112 : index
    %swap3A_168 = tpu.vector_load %arg8[%swap3A_167] {strides = array<i32>} : memref<128xi32, #tpu.memory_space<vmem>>, vector<16xi32>,
    %swap3A_169 = vector.shape_cast %swap3A_168 : vector<16xi32> to vector<16xi32>
    %swap3A_170 = vector.shape_cast %add3A_166 : vector<16xi32> to vector<16xi32>
    tpu.vector_store %arg8[%swap3A_167], %swap3A_170 {strides = array<i32>} : memref<128xi32, #tpu.memory_space<vmem>>, vector<16xi32>,
    %add3A_171 = arith.constant 32768 : i32
    %add3A_172 = vector.broadcast %add3A_171 : i32 to vector<16xi32>
    %add3A_173 = arith.addi %get3A_163, %add3A_172 : vector<16xi32>
    %swap3A_174 = arith.constant 112 : index
    %swap3A_175 = tpu.vector_load %arg9[%swap3A_174] {strides = array<i32>} : memref<128xi32, #tpu.memory_space<vmem>>, vector<16xi32>,
    %swap3A_176 = vector.shape_cast %swap3A_175 : vector<16xi32> to vector<16xi32>
    %swap3A_177 = vector.shape_cast %add3A_173 : vector<16xi32> to vector<16xi32>
    tpu.vector_store %arg9[%swap3A_174], %swap3A_177 {strides = array<i32>} : memref<128xi32, #tpu.memory_space<vmem>>, vector<16xi32>,
    %dma_start3A = arith.constant 0 : i32
    %dma_start3A_178 = tpu.memref_slice %arg3[%dma_start3A] : memref<393216xf32, #tpu.memory_space<hbm>> -> memref<393216xf32, #tpu.memory_space<hbm>>
    tpu.enqueue_indirect_dma source(%dma_start3A_178 : memref<393216xf32, #tpu.memory_space<hbm>>) target(%arg10 : memref<128xf32, #tpu.memory_space<vmem>>) offsets(%arg7 : memref<128xi32, #tpu.memory_space<vmem>>) semaphore(%arg23 : memref<!tpu.dma_semaphore, #tpu.memory_space<semaphore_mem>>)
    %dma_start3A_179 = arith.constant 0 : i32
    %dma_start3A_180 = tpu.memref_slice %arg3[%dma_start3A_179] : memref<393216xf32, #tpu.memory_space<hbm>> -> memref<393216xf32, #tpu.memory_space<hbm>>
    tpu.enqueue_indirect_dma source(%dma_start3A_180 : memref<393216xf32, #tpu.memory_space<hbm>>) target(%arg11 : memref<128xf32, #tpu.memory_space<vmem>>) offsets(%arg8 : memref<128xi32, #tpu.memory_space<vmem>>) semaphore(%arg23 : memref<!tpu.dma_semaphore, #tpu.memory_space<semaphore_mem>>)
    %dma_start3A_181 = arith.constant 0 : i32
    %dma_start3A_182 = tpu.memref_slice %arg3[%dma_start3A_181] : memref<393216xf32, #tpu.memory_space<hbm>> -> memref<393216xf32, #tpu.memory_space<hbm>>
    tpu.enqueue_indirect_dma source(%dma_start3A_182 : memref<393216xf32, #tpu.memory_space<hbm>>) target(%arg12 : memref<128xf32, #tpu.memory_space<vmem>>) offsets(%arg9 : memref<128xi32, #tpu.memory_space<vmem>>) semaphore(%arg23 : memref<!tpu.dma_semaphore, #tpu.memory_space<semaphore_mem>>)
    %dma_start3A_183 = arith.constant 0 : i32
    %dma_start3A_184 = tpu.memref_slice %arg4[%dma_start3A_183] : memref<393216xf32, #tpu.memory_space<hbm>> -> memref<393216xf32, #tpu.memory_space<hbm>>
    tpu.enqueue_indirect_dma source(%dma_start3A_184 : memref<393216xf32, #tpu.memory_space<hbm>>) target(%arg13 : memref<128xf32, #tpu.memory_space<vmem>>) offsets(%arg7 : memref<128xi32, #tpu.memory_space<vmem>>) semaphore(%arg23 : memref<!tpu.dma_semaphore, #tpu.memory_space<semaphore_mem>>)
    %dma_start3A_185 = arith.constant 0 : i32
    %dma_start3A_186 = tpu.memref_slice %arg4[%dma_start3A_185] : memref<393216xf32, #tpu.memory_space<hbm>> -> memref<393216xf32, #tpu.memory_space<hbm>>
    tpu.enqueue_indirect_dma source(%dma_start3A_186 : memref<393216xf32, #tpu.memory_space<hbm>>) target(%arg14 : memref<128xf32, #tpu.memory_space<vmem>>) offsets(%arg8 : memref<128xi32, #tpu.memory_space<vmem>>) semaphore(%arg23 : memref<!tpu.dma_semaphore, #tpu.memory_space<semaphore_mem>>)
    %dma_start3A_187 = arith.constant 0 : i32
    %dma_start3A_188 = tpu.memref_slice %arg4[%dma_start3A_187] : memref<393216xf32, #tpu.memory_space<hbm>> -> memref<393216xf32, #tpu.memory_space<hbm>>
    tpu.enqueue_indirect_dma source(%dma_start3A_188 : memref<393216xf32, #tpu.memory_space<hbm>>) target(%arg15 : memref<128xf32, #tpu.memory_space<vmem>>) offsets(%arg9 : memref<128xi32, #tpu.memory_space<vmem>>) semaphore(%arg23 : memref<!tpu.dma_semaphore, #tpu.memory_space<semaphore_mem>>)
    %dma_wait3A = arith.constant 0 : i32
    %dma_wait3A_189 = tpu.memref_slice %arg3[%dma_wait3A] : memref<393216xf32, #tpu.memory_space<hbm>> -> memref<393216xf32, #tpu.memory_space<hbm>>
    tpu.wait_indirect_dma semaphore(%arg23 : memref<!tpu.dma_semaphore, #tpu.memory_space<semaphore_mem>>) src(%dma_wait3A_189 : memref<393216xf32, #tpu.memory_space<hbm>>) dst(%arg10 : memref<128xf32, #tpu.memory_space<vmem>>)
    %dma_wait3A_190 = arith.constant 0 : i32
    %dma_wait3A_191 = tpu.memref_slice %arg3[%dma_wait3A_190] : memref<393216xf32, #tpu.memory_space<hbm>> -> memref<393216xf32, #tpu.memory_space<hbm>>
    tpu.wait_indirect_dma semaphore(%arg23 : memref<!tpu.dma_semaphore, #tpu.memory_space<semaphore_mem>>) src(%dma_wait3A_191 : memref<393216xf32, #tpu.memory_space<hbm>>) dst(%arg11 : memref<128xf32, #tpu.memory_space<vmem>>)
    %dma_wait3A_192 = arith.constant 0 : i32
    %dma_wait3A_193 = tpu.memref_slice %arg3[%dma_wait3A_192] : memref<393216xf32, #tpu.memory_space<hbm>> -> memref<393216xf32, #tpu.memory_space<hbm>>
    tpu.wait_indirect_dma semaphore(%arg23 : memref<!tpu.dma_semaphore, #tpu.memory_space<semaphore_mem>>) src(%dma_wait3A_193 : memref<393216xf32, #tpu.memory_space<hbm>>) dst(%arg12 : memref<128xf32, #tpu.memory_space<vmem>>)
    %dma_wait3A_194 = arith.constant 0 : i32
    %dma_wait3A_195 = tpu.memref_slice %arg4[%dma_wait3A_194] : memref<393216xf32, #tpu.memory_space<hbm>> -> memref<393216xf32, #tpu.memory_space<hbm>>
    tpu.wait_indirect_dma semaphore(%arg23 : memref<!tpu.dma_semaphore, #tpu.memory_space<semaphore_mem>>) src(%dma_wait3A_195 : memref<393216xf32, #tpu.memory_space<hbm>>) dst(%arg13 : memref<128xf32, #tpu.memory_space<vmem>>)
    %dma_wait3A_196 = arith.constant 0 : i32
    %dma_wait3A_197 = tpu.memref_slice %arg4[%dma_wait3A_196] : memref<393216xf32, #tpu.memory_space<hbm>> -> memref<393216xf32, #tpu.memory_space<hbm>>
    tpu.wait_indirect_dma semaphore(%arg23 : memref<!tpu.dma_semaphore, #tpu.memory_space<semaphore_mem>>) src(%dma_wait3A_197 : memref<393216xf32, #tpu.memory_space<hbm>>) dst(%arg14 : memref<128xf32, #tpu.memory_space<vmem>>)
    %dma_wait3A_198 = arith.constant 0 : i32
    %dma_wait3A_199 = tpu.memref_slice %arg4[%dma_wait3A_198] : memref<393216xf32, #tpu.memory_space<hbm>> -> memref<393216xf32, #tpu.memory_space<hbm>>
    tpu.wait_indirect_dma semaphore(%arg23 : memref<!tpu.dma_semaphore, #tpu.memory_space<semaphore_mem>>) src(%dma_wait3A_199 : memref<393216xf32, #tpu.memory_space<hbm>>) dst(%arg15 : memref<128xf32, #tpu.memory_space<vmem>>)
    %broadcast_in_dim3A = arith.constant 0.000000e+00 : f32
    %broadcast_in_dim3A_200 = vector.broadcast %broadcast_in_dim3A : f32 to vector<16xf32>
    %get3A_201 = arith.constant 0 : index
    %get3A_202 = tpu.vector_load %arg16[%get3A_201] {strides = array<i32>} : memref<128xf32, #tpu.memory_space<vmem>>, vector<16xf32>,
    %get3A_203 = vector.shape_cast %get3A_202 : vector<16xf32> to vector<16xf32>
    %get3A_204 = arith.constant 0 : index
    %get3A_205 = tpu.vector_load %arg10[%get3A_204] {strides = array<i32>} : memref<128xf32, #tpu.memory_space<vmem>>, vector<16xf32>,
    %get3A_206 = vector.shape_cast %get3A_205 : vector<16xf32> to vector<16xf32>
    %sub3A_207 = arith.subf %get3A_203, %get3A_206 : vector<16xf32>
    %get3A_208 = arith.constant 0 : index
    %get3A_209 = tpu.vector_load %arg17[%get3A_208] {strides = array<i32>} : memref<128xf32, #tpu.memory_space<vmem>>, vector<16xf32>,
    %get3A_210 = vector.shape_cast %get3A_209 : vector<16xf32> to vector<16xf32>
    %get3A_211 = arith.constant 0 : index
    %get3A_212 = tpu.vector_load %arg11[%get3A_211] {strides = array<i32>} : memref<128xf32, #tpu.memory_space<vmem>>, vector<16xf32>,
    %get3A_213 = vector.shape_cast %get3A_212 : vector<16xf32> to vector<16xf32>
    %sub3A_214 = arith.subf %get3A_210, %get3A_213 : vector<16xf32>
    %get3A_215 = arith.constant 0 : index
    %get3A_216 = tpu.vector_load %arg18[%get3A_215] {strides = array<i32>} : memref<128xf32, #tpu.memory_space<vmem>>, vector<16xf32>,
    %get3A_217 = vector.shape_cast %get3A_216 : vector<16xf32> to vector<16xf32>
    %get3A_218 = arith.constant 0 : index
    %get3A_219 = tpu.vector_load %arg12[%get3A_218] {strides = array<i32>} : memref<128xf32, #tpu.memory_space<vmem>>, vector<16xf32>,
    %get3A_220 = vector.shape_cast %get3A_219 : vector<16xf32> to vector<16xf32>
    %sub3A_221 = arith.subf %get3A_217, %get3A_220 : vector<16xf32>
    %get3A_222 = arith.constant 0 : index
    %get3A_223 = tpu.vector_load %arg13[%get3A_222] {strides = array<i32>} : memref<128xf32, #tpu.memory_space<vmem>>, vector<16xf32>,
    %get3A_224 = vector.shape_cast %get3A_223 : vector<16xf32> to vector<16xf32>
    %mul3A_225 = arith.mulf %sub3A_207, %get3A_224 : vector<16xf32>
    %get3A_226 = arith.constant 0 : index
    %get3A_227 = tpu.vector_load %arg14[%get3A_226] {strides = array<i32>} : memref<128xf32, #tpu.memory_space<vmem>>, vector<16xf32>,
    %get3A_228 = vector.shape_cast %get3A_227 : vector<16xf32> to vector<16xf32>
    %mul3A_229 = arith.mulf %sub3A_214, %get3A_228 : vector<16xf32>
    %add3A_230 = arith.addf %mul3A_225, %mul3A_229 : vector<16xf32>
    %get3A_231 = arith.constant 0 : index
    %get3A_232 = tpu.vector_load %arg15[%get3A_231] {strides = array<i32>} : memref<128xf32, #tpu.memory_space<vmem>>, vector<16xf32>,
    %get3A_233 = vector.shape_cast %get3A_232 : vector<16xf32> to vector<16xf32>
    %mul3A_234 = arith.mulf %sub3A_221, %get3A_233 : vector<16xf32>
    %add3A_235 = arith.addf %add3A_230, %mul3A_234 : vector<16xf32>
    %mul3A_236 = arith.mulf %sub3A_207, %sub3A_207 : vector<16xf32>
    %mul3A_237 = arith.mulf %sub3A_214, %sub3A_214 : vector<16xf32>
    %add3A_238 = arith.addf %mul3A_236, %mul3A_237 : vector<16xf32>
    %mul3A_239 = arith.mulf %sub3A_221, %sub3A_221 : vector<16xf32>
    %add3A_240 = arith.addf %add3A_238, %mul3A_239 : vector<16xf32>
    %mul3A_241 = arith.mulf %add3A_235, %add3A_235 : vector<16xf32>
    %max3A = arith.constant 1.000000e-30 : f32
    %max3A_242 = vector.broadcast %max3A : f32 to vector<16xf32>
    %max3A_243 = arith.maximumf %add3A_240, %max3A_242 : vector<16xf32>
    %div3A_244 = arith.divf %mul3A_241, %max3A_243 : vector<16xf32>
    %add3A_245 = arith.addf %broadcast_in_dim3A_200, %div3A_244 : vector<16xf32>
    %get3A_246 = arith.constant 16 : index
    %get3A_247 = tpu.vector_load %arg16[%get3A_246] {strides = array<i32>} : memref<128xf32, #tpu.memory_space<vmem>>, vector<16xf32>,
    %get3A_248 = vector.shape_cast %get3A_247 : vector<16xf32> to vector<16xf32>
    %get3A_249 = arith.constant 16 : index
    %get3A_250 = tpu.vector_load %arg10[%get3A_249] {strides = array<i32>} : memref<128xf32, #tpu.memory_space<vmem>>, vector<16xf32>,
    %get3A_251 = vector.shape_cast %get3A_250 : vector<16xf32> to vector<16xf32>
    %sub3A_252 = arith.subf %get3A_248, %get3A_251 : vector<16xf32>
    %get3A_253 = arith.constant 16 : index
    %get3A_254 = tpu.vector_load %arg17[%get3A_253] {strides = array<i32>} : memref<128xf32, #tpu.memory_space<vmem>>, vector<16xf32>,
    %get3A_255 = vector.shape_cast %get3A_254 : vector<16xf32> to vector<16xf32>
    %get3A_256 = arith.constant 16 : index
    %get3A_257 = tpu.vector_load %arg11[%get3A_256] {strides = array<i32>} : memref<128xf32, #tpu.memory_space<vmem>>, vector<16xf32>,
    %get3A_258 = vector.shape_cast %get3A_257 : vector<16xf32> to vector<16xf32>
    %sub3A_259 = arith.subf %get3A_255, %get3A_258 : vector<16xf32>
    %get3A_260 = arith.constant 16 : index
    %get3A_261 = tpu.vector_load %arg18[%get3A_260] {strides = array<i32>} : memref<128xf32, #tpu.memory_space<vmem>>, vector<16xf32>,
    %get3A_262 = vector.shape_cast %get3A_261 : vector<16xf32> to vector<16xf32>
    %get3A_263 = arith.constant 16 : index
    %get3A_264 = tpu.vector_load %arg12[%get3A_263] {strides = array<i32>} : memref<128xf32, #tpu.memory_space<vmem>>, vector<16xf32>,
    %get3A_265 = vector.shape_cast %get3A_264 : vector<16xf32> to vector<16xf32>
    %sub3A_266 = arith.subf %get3A_262, %get3A_265 : vector<16xf32>
    %get3A_267 = arith.constant 16 : index
    %get3A_268 = tpu.vector_load %arg13[%get3A_267] {strides = array<i32>} : memref<128xf32, #tpu.memory_space<vmem>>, vector<16xf32>,
    %get3A_269 = vector.shape_cast %get3A_268 : vector<16xf32> to vector<16xf32>
    %mul3A_270 = arith.mulf %sub3A_252, %get3A_269 : vector<16xf32>
    %get3A_271 = arith.constant 16 : index
    %get3A_272 = tpu.vector_load %arg14[%get3A_271] {strides = array<i32>} : memref<128xf32, #tpu.memory_space<vmem>>, vector<16xf32>,
    %get3A_273 = vector.shape_cast %get3A_272 : vector<16xf32> to vector<16xf32>
    %mul3A_274 = arith.mulf %sub3A_259, %get3A_273 : vector<16xf32>
    %add3A_275 = arith.addf %mul3A_270, %mul3A_274 : vector<16xf32>
    %get3A_276 = arith.constant 16 : index
    %get3A_277 = tpu.vector_load %arg15[%get3A_276] {strides = array<i32>} : memref<128xf32, #tpu.memory_space<vmem>>, vector<16xf32>,
    %get3A_278 = vector.shape_cast %get3A_277 : vector<16xf32> to vector<16xf32>
    %mul3A_279 = arith.mulf %sub3A_266, %get3A_278 : vector<16xf32>
    %add3A_280 = arith.addf %add3A_275, %mul3A_279 : vector<16xf32>
    %mul3A_281 = arith.mulf %sub3A_252, %sub3A_252 : vector<16xf32>
    %mul3A_282 = arith.mulf %sub3A_259, %sub3A_259 : vector<16xf32>
    %add3A_283 = arith.addf %mul3A_281, %mul3A_282 : vector<16xf32>
    %mul3A_284 = arith.mulf %sub3A_266, %sub3A_266 : vector<16xf32>
    %add3A_285 = arith.addf %add3A_283, %mul3A_284 : vector<16xf32>
    %mul3A_286 = arith.mulf %add3A_280, %add3A_280 : vector<16xf32>
    %max3A_287 = arith.constant 1.000000e-30 : f32
    %max3A_288 = vector.broadcast %max3A_287 : f32 to vector<16xf32>
    %max3A_289 = arith.maximumf %add3A_285, %max3A_288 : vector<16xf32>
    %div3A_290 = arith.divf %mul3A_286, %max3A_289 : vector<16xf32>
    %add3A_291 = arith.addf %add3A_245, %div3A_290 : vector<16xf32>
    %get3A_292 = arith.constant 32 : index
    %get3A_293 = tpu.vector_load %arg16[%get3A_292] {strides = array<i32>} : memref<128xf32, #tpu.memory_space<vmem>>, vector<16xf32>,
    %get3A_294 = vector.shape_cast %get3A_293 : vector<16xf32> to vector<16xf32>
    %get3A_295 = arith.constant 32 : index
    %get3A_296 = tpu.vector_load %arg10[%get3A_295] {strides = array<i32>} : memref<128xf32, #tpu.memory_space<vmem>>, vector<16xf32>,
    %get3A_297 = vector.shape_cast %get3A_296 : vector<16xf32> to vector<16xf32>
    %sub3A_298 = arith.subf %get3A_294, %get3A_297 : vector<16xf32>
    %get3A_299 = arith.constant 32 : index
    %get3A_300 = tpu.vector_load %arg17[%get3A_299] {strides = array<i32>} : memref<128xf32, #tpu.memory_space<vmem>>, vector<16xf32>,
    %get3A_301 = vector.shape_cast %get3A_300 : vector<16xf32> to vector<16xf32>
    %get3A_302 = arith.constant 32 : index
    %get3A_303 = tpu.vector_load %arg11[%get3A_302] {strides = array<i32>} : memref<128xf32, #tpu.memory_space<vmem>>, vector<16xf32>,
    %get3A_304 = vector.shape_cast %get3A_303 : vector<16xf32> to vector<16xf32>
    %sub3A_305 = arith.subf %get3A_301, %get3A_304 : vector<16xf32>
    %get3A_306 = arith.constant 32 : index
    %get3A_307 = tpu.vector_load %arg18[%get3A_306] {strides = array<i32>} : memref<128xf32, #tpu.memory_space<vmem>>, vector<16xf32>,
    %get3A_308 = vector.shape_cast %get3A_307 : vector<16xf32> to vector<16xf32>
    %get3A_309 = arith.constant 32 : index
    %get3A_310 = tpu.vector_load %arg12[%get3A_309] {strides = array<i32>} : memref<128xf32, #tpu.memory_space<vmem>>, vector<16xf32>,
    %get3A_311 = vector.shape_cast %get3A_310 : vector<16xf32> to vector<16xf32>
    %sub3A_312 = arith.subf %get3A_308, %get3A_311 : vector<16xf32>
    %get3A_313 = arith.constant 32 : index
    %get3A_314 = tpu.vector_load %arg13[%get3A_313] {strides = array<i32>} : memref<128xf32, #tpu.memory_space<vmem>>, vector<16xf32>,
    %get3A_315 = vector.shape_cast %get3A_314 : vector<16xf32> to vector<16xf32>
    %mul3A_316 = arith.mulf %sub3A_298, %get3A_315 : vector<16xf32>
    %get3A_317 = arith.constant 32 : index
    %get3A_318 = tpu.vector_load %arg14[%get3A_317] {strides = array<i32>} : memref<128xf32, #tpu.memory_space<vmem>>, vector<16xf32>,
    %get3A_319 = vector.shape_cast %get3A_318 : vector<16xf32> to vector<16xf32>
    %mul3A_320 = arith.mulf %sub3A_305, %get3A_319 : vector<16xf32>
    %add3A_321 = arith.addf %mul3A_316, %mul3A_320 : vector<16xf32>
    %get3A_322 = arith.constant 32 : index
    %get3A_323 = tpu.vector_load %arg15[%get3A_322] {strides = array<i32>} : memref<128xf32, #tpu.memory_space<vmem>>, vector<16xf32>,
    %get3A_324 = vector.shape_cast %get3A_323 : vector<16xf32> to vector<16xf32>
    %mul3A_325 = arith.mulf %sub3A_312, %get3A_324 : vector<16xf32>
    %add3A_326 = arith.addf %add3A_321, %mul3A_325 : vector<16xf32>
    %mul3A_327 = arith.mulf %sub3A_298, %sub3A_298 : vector<16xf32>
    %mul3A_328 = arith.mulf %sub3A_305, %sub3A_305 : vector<16xf32>
    %add3A_329 = arith.addf %mul3A_327, %mul3A_328 : vector<16xf32>
    %mul3A_330 = arith.mulf %sub3A_312, %sub3A_312 : vector<16xf32>
    %add3A_331 = arith.addf %add3A_329, %mul3A_330 : vector<16xf32>
    %mul3A_332 = arith.mulf %add3A_326, %add3A_326 : vector<16xf32>
    %max3A_333 = arith.constant 1.000000e-30 : f32
    %max3A_334 = vector.broadcast %max3A_333 : f32 to vector<16xf32>
    %max3A_335 = arith.maximumf %add3A_331, %max3A_334 : vector<16xf32>
    %div3A_336 = arith.divf %mul3A_332, %max3A_335 : vector<16xf32>
    %add3A_337 = arith.addf %add3A_291, %div3A_336 : vector<16xf32>
    %get3A_338 = arith.constant 48 : index
    %get3A_339 = tpu.vector_load %arg16[%get3A_338] {strides = array<i32>} : memref<128xf32, #tpu.memory_space<vmem>>, vector<16xf32>,
    %get3A_340 = vector.shape_cast %get3A_339 : vector<16xf32> to vector<16xf32>
    %get3A_341 = arith.constant 48 : index
    %get3A_342 = tpu.vector_load %arg10[%get3A_341] {strides = array<i32>} : memref<128xf32, #tpu.memory_space<vmem>>, vector<16xf32>,
    %get3A_343 = vector.shape_cast %get3A_342 : vector<16xf32> to vector<16xf32>
    %sub3A_344 = arith.subf %get3A_340, %get3A_343 : vector<16xf32>
    %get3A_345 = arith.constant 48 : index
    %get3A_346 = tpu.vector_load %arg17[%get3A_345] {strides = array<i32>} : memref<128xf32, #tpu.memory_space<vmem>>, vector<16xf32>,
    %get3A_347 = vector.shape_cast %get3A_346 : vector<16xf32> to vector<16xf32>
    %get3A_348 = arith.constant 48 : index
    %get3A_349 = tpu.vector_load %arg11[%get3A_348] {strides = array<i32>} : memref<128xf32, #tpu.memory_space<vmem>>, vector<16xf32>,
    %get3A_350 = vector.shape_cast %get3A_349 : vector<16xf32> to vector<16xf32>
    %sub3A_351 = arith.subf %get3A_347, %get3A_350 : vector<16xf32>
    %get3A_352 = arith.constant 48 : index
    %get3A_353 = tpu.vector_load %arg18[%get3A_352] {strides = array<i32>} : memref<128xf32, #tpu.memory_space<vmem>>, vector<16xf32>,
    %get3A_354 = vector.shape_cast %get3A_353 : vector<16xf32> to vector<16xf32>
    %get3A_355 = arith.constant 48 : index
    %get3A_356 = tpu.vector_load %arg12[%get3A_355] {strides = array<i32>} : memref<128xf32, #tpu.memory_space<vmem>>, vector<16xf32>,
    %get3A_357 = vector.shape_cast %get3A_356 : vector<16xf32> to vector<16xf32>
    %sub3A_358 = arith.subf %get3A_354, %get3A_357 : vector<16xf32>
    %get3A_359 = arith.constant 48 : index
    %get3A_360 = tpu.vector_load %arg13[%get3A_359] {strides = array<i32>} : memref<128xf32, #tpu.memory_space<vmem>>, vector<16xf32>,
    %get3A_361 = vector.shape_cast %get3A_360 : vector<16xf32> to vector<16xf32>
    %mul3A_362 = arith.mulf %sub3A_344, %get3A_361 : vector<16xf32>
    %get3A_363 = arith.constant 48 : index
    %get3A_364 = tpu.vector_load %arg14[%get3A_363] {strides = array<i32>} : memref<128xf32, #tpu.memory_space<vmem>>, vector<16xf32>,
    %get3A_365 = vector.shape_cast %get3A_364 : vector<16xf32> to vector<16xf32>
    %mul3A_366 = arith.mulf %sub3A_351, %get3A_365 : vector<16xf32>
    %add3A_367 = arith.addf %mul3A_362, %mul3A_366 : vector<16xf32>
    %get3A_368 = arith.constant 48 : index
    %get3A_369 = tpu.vector_load %arg15[%get3A_368] {strides = array<i32>} : memref<128xf32, #tpu.memory_space<vmem>>, vector<16xf32>,
    %get3A_370 = vector.shape_cast %get3A_369 : vector<16xf32> to vector<16xf32>
    %mul3A_371 = arith.mulf %sub3A_358, %get3A_370 : vector<16xf32>
    %add3A_372 = arith.addf %add3A_367, %mul3A_371 : vector<16xf32>
    %mul3A_373 = arith.mulf %sub3A_344, %sub3A_344 : vector<16xf32>
    %mul3A_374 = arith.mulf %sub3A_351, %sub3A_351 : vector<16xf32>
    %add3A_375 = arith.addf %mul3A_373, %mul3A_374 : vector<16xf32>
    %mul3A_376 = arith.mulf %sub3A_358, %sub3A_358 : vector<16xf32>
    %add3A_377 = arith.addf %add3A_375, %mul3A_376 : vector<16xf32>
    %mul3A_378 = arith.mulf %add3A_372, %add3A_372 : vector<16xf32>
    %max3A_379 = arith.constant 1.000000e-30 : f32
    %max3A_380 = vector.broadcast %max3A_379 : f32 to vector<16xf32>
    %max3A_381 = arith.maximumf %add3A_377, %max3A_380 : vector<16xf32>
    %div3A_382 = arith.divf %mul3A_378, %max3A_381 : vector<16xf32>
    %add3A_383 = arith.addf %add3A_337, %div3A_382 : vector<16xf32>
    %get3A_384 = arith.constant 64 : index
    %get3A_385 = tpu.vector_load %arg16[%get3A_384] {strides = array<i32>} : memref<128xf32, #tpu.memory_space<vmem>>, vector<16xf32>,
    %get3A_386 = vector.shape_cast %get3A_385 : vector<16xf32> to vector<16xf32>
    %get3A_387 = arith.constant 64 : index
    %get3A_388 = tpu.vector_load %arg10[%get3A_387] {strides = array<i32>} : memref<128xf32, #tpu.memory_space<vmem>>, vector<16xf32>,
    %get3A_389 = vector.shape_cast %get3A_388 : vector<16xf32> to vector<16xf32>
    %sub3A_390 = arith.subf %get3A_386, %get3A_389 : vector<16xf32>
    %get3A_391 = arith.constant 64 : index
    %get3A_392 = tpu.vector_load %arg17[%get3A_391] {strides = array<i32>} : memref<128xf32, #tpu.memory_space<vmem>>, vector<16xf32>,
    %get3A_393 = vector.shape_cast %get3A_392 : vector<16xf32> to vector<16xf32>
    %get3A_394 = arith.constant 64 : index
    %get3A_395 = tpu.vector_load %arg11[%get3A_394] {strides = array<i32>} : memref<128xf32, #tpu.memory_space<vmem>>, vector<16xf32>,
    %get3A_396 = vector.shape_cast %get3A_395 : vector<16xf32> to vector<16xf32>
    %sub3A_397 = arith.subf %get3A_393, %get3A_396 : vector<16xf32>
    %get3A_398 = arith.constant 64 : index
    %get3A_399 = tpu.vector_load %arg18[%get3A_398] {strides = array<i32>} : memref<128xf32, #tpu.memory_space<vmem>>, vector<16xf32>,
    %get3A_400 = vector.shape_cast %get3A_399 : vector<16xf32> to vector<16xf32>
    %get3A_401 = arith.constant 64 : index
    %get3A_402 = tpu.vector_load %arg12[%get3A_401] {strides = array<i32>} : memref<128xf32, #tpu.memory_space<vmem>>, vector<16xf32>,
    %get3A_403 = vector.shape_cast %get3A_402 : vector<16xf32> to vector<16xf32>
    %sub3A_404 = arith.subf %get3A_400, %get3A_403 : vector<16xf32>
    %get3A_405 = arith.constant 64 : index
    %get3A_406 = tpu.vector_load %arg13[%get3A_405] {strides = array<i32>} : memref<128xf32, #tpu.memory_space<vmem>>, vector<16xf32>,
    %get3A_407 = vector.shape_cast %get3A_406 : vector<16xf32> to vector<16xf32>
    %mul3A_408 = arith.mulf %sub3A_390, %get3A_407 : vector<16xf32>
    %get3A_409 = arith.constant 64 : index
    %get3A_410 = tpu.vector_load %arg14[%get3A_409] {strides = array<i32>} : memref<128xf32, #tpu.memory_space<vmem>>, vector<16xf32>,
    %get3A_411 = vector.shape_cast %get3A_410 : vector<16xf32> to vector<16xf32>
    %mul3A_412 = arith.mulf %sub3A_397, %get3A_411 : vector<16xf32>
    %add3A_413 = arith.addf %mul3A_408, %mul3A_412 : vector<16xf32>
    %get3A_414 = arith.constant 64 : index
    %get3A_415 = tpu.vector_load %arg15[%get3A_414] {strides = array<i32>} : memref<128xf32, #tpu.memory_space<vmem>>, vector<16xf32>,
    %get3A_416 = vector.shape_cast %get3A_415 : vector<16xf32> to vector<16xf32>
    %mul3A_417 = arith.mulf %sub3A_404, %get3A_416 : vector<16xf32>
    %add3A_418 = arith.addf %add3A_413, %mul3A_417 : vector<16xf32>
    %mul3A_419 = arith.mulf %sub3A_390, %sub3A_390 : vector<16xf32>
    %mul3A_420 = arith.mulf %sub3A_397, %sub3A_397 : vector<16xf32>
    %add3A_421 = arith.addf %mul3A_419, %mul3A_420 : vector<16xf32>
    %mul3A_422 = arith.mulf %sub3A_404, %sub3A_404 : vector<16xf32>
    %add3A_423 = arith.addf %add3A_421, %mul3A_422 : vector<16xf32>
    %mul3A_424 = arith.mulf %add3A_418, %add3A_418 : vector<16xf32>
    %max3A_425 = arith.constant 1.000000e-30 : f32
    %max3A_426 = vector.broadcast %max3A_425 : f32 to vector<16xf32>
    %max3A_427 = arith.maximumf %add3A_423, %max3A_426 : vector<16xf32>
    %div3A_428 = arith.divf %mul3A_424, %max3A_427 : vector<16xf32>
    %add3A_429 = arith.addf %add3A_383, %div3A_428 : vector<16xf32>
    %get3A_430 = arith.constant 80 : index
    %get3A_431 = tpu.vector_load %arg16[%get3A_430] {strides = array<i32>} : memref<128xf32, #tpu.memory_space<vmem>>, vector<16xf32>,
    %get3A_432 = vector.shape_cast %get3A_431 : vector<16xf32> to vector<16xf32>
    %get3A_433 = arith.constant 80 : index
    %get3A_434 = tpu.vector_load %arg10[%get3A_433] {strides = array<i32>} : memref<128xf32, #tpu.memory_space<vmem>>, vector<16xf32>,
    %get3A_435 = vector.shape_cast %get3A_434 : vector<16xf32> to vector<16xf32>
    %sub3A_436 = arith.subf %get3A_432, %get3A_435 : vector<16xf32>
    %get3A_437 = arith.constant 80 : index
    %get3A_438 = tpu.vector_load %arg17[%get3A_437] {strides = array<i32>} : memref<128xf32, #tpu.memory_space<vmem>>, vector<16xf32>,
    %get3A_439 = vector.shape_cast %get3A_438 : vector<16xf32> to vector<16xf32>
    %get3A_440 = arith.constant 80 : index
    %get3A_441 = tpu.vector_load %arg11[%get3A_440] {strides = array<i32>} : memref<128xf32, #tpu.memory_space<vmem>>, vector<16xf32>,
    %get3A_442 = vector.shape_cast %get3A_441 : vector<16xf32> to vector<16xf32>
    %sub3A_443 = arith.subf %get3A_439, %get3A_442 : vector<16xf32>
    %get3A_444 = arith.constant 80 : index
    %get3A_445 = tpu.vector_load %arg18[%get3A_444] {strides = array<i32>} : memref<128xf32, #tpu.memory_space<vmem>>, vector<16xf32>,
    %get3A_446 = vector.shape_cast %get3A_445 : vector<16xf32> to vector<16xf32>
    %get3A_447 = arith.constant 80 : index
    %get3A_448 = tpu.vector_load %arg12[%get3A_447] {strides = array<i32>} : memref<128xf32, #tpu.memory_space<vmem>>, vector<16xf32>,
    %get3A_449 = vector.shape_cast %get3A_448 : vector<16xf32> to vector<16xf32>
    %sub3A_450 = arith.subf %get3A_446, %get3A_449 : vector<16xf32>
    %get3A_451 = arith.constant 80 : index
    %get3A_452 = tpu.vector_load %arg13[%get3A_451] {strides = array<i32>} : memref<128xf32, #tpu.memory_space<vmem>>, vector<16xf32>,
    %get3A_453 = vector.shape_cast %get3A_452 : vector<16xf32> to vector<16xf32>
    %mul3A_454 = arith.mulf %sub3A_436, %get3A_453 : vector<16xf32>
    %get3A_455 = arith.constant 80 : index
    %get3A_456 = tpu.vector_load %arg14[%get3A_455] {strides = array<i32>} : memref<128xf32, #tpu.memory_space<vmem>>, vector<16xf32>,
    %get3A_457 = vector.shape_cast %get3A_456 : vector<16xf32> to vector<16xf32>
    %mul3A_458 = arith.mulf %sub3A_443, %get3A_457 : vector<16xf32>
    %add3A_459 = arith.addf %mul3A_454, %mul3A_458 : vector<16xf32>
    %get3A_460 = arith.constant 80 : index
    %get3A_461 = tpu.vector_load %arg15[%get3A_460] {strides = array<i32>} : memref<128xf32, #tpu.memory_space<vmem>>, vector<16xf32>,
    %get3A_462 = vector.shape_cast %get3A_461 : vector<16xf32> to vector<16xf32>
    %mul3A_463 = arith.mulf %sub3A_450, %get3A_462 : vector<16xf32>
    %add3A_464 = arith.addf %add3A_459, %mul3A_463 : vector<16xf32>
    %mul3A_465 = arith.mulf %sub3A_436, %sub3A_436 : vector<16xf32>
    %mul3A_466 = arith.mulf %sub3A_443, %sub3A_443 : vector<16xf32>
    %add3A_467 = arith.addf %mul3A_465, %mul3A_466 : vector<16xf32>
    %mul3A_468 = arith.mulf %sub3A_450, %sub3A_450 : vector<16xf32>
    %add3A_469 = arith.addf %add3A_467, %mul3A_468 : vector<16xf32>
    %mul3A_470 = arith.mulf %add3A_464, %add3A_464 : vector<16xf32>
    %max3A_471 = arith.constant 1.000000e-30 : f32
    %max3A_472 = vector.broadcast %max3A_471 : f32 to vector<16xf32>
    %max3A_473 = arith.maximumf %add3A_469, %max3A_472 : vector<16xf32>
    %div3A_474 = arith.divf %mul3A_470, %max3A_473 : vector<16xf32>
    %add3A_475 = arith.addf %add3A_429, %div3A_474 : vector<16xf32>
    %get3A_476 = arith.constant 96 : index
    %get3A_477 = tpu.vector_load %arg16[%get3A_476] {strides = array<i32>} : memref<128xf32, #tpu.memory_space<vmem>>, vector<16xf32>,
    %get3A_478 = vector.shape_cast %get3A_477 : vector<16xf32> to vector<16xf32>
    %get3A_479 = arith.constant 96 : index
    %get3A_480 = tpu.vector_load %arg10[%get3A_479] {strides = array<i32>} : memref<128xf32, #tpu.memory_space<vmem>>, vector<16xf32>,
    %get3A_481 = vector.shape_cast %get3A_480 : vector<16xf32> to vector<16xf32>
    %sub3A_482 = arith.subf %get3A_478, %get3A_481 : vector<16xf32>
    %get3A_483 = arith.constant 96 : index
    %get3A_484 = tpu.vector_load %arg17[%get3A_483] {strides = array<i32>} : memref<128xf32, #tpu.memory_space<vmem>>, vector<16xf32>,
    %get3A_485 = vector.shape_cast %get3A_484 : vector<16xf32> to vector<16xf32>
    %get3A_486 = arith.constant 96 : index
    %get3A_487 = tpu.vector_load %arg11[%get3A_486] {strides = array<i32>} : memref<128xf32, #tpu.memory_space<vmem>>, vector<16xf32>,
    %get3A_488 = vector.shape_cast %get3A_487 : vector<16xf32> to vector<16xf32>
    %sub3A_489 = arith.subf %get3A_485, %get3A_488 : vector<16xf32>
    %get3A_490 = arith.constant 96 : index
    %get3A_491 = tpu.vector_load %arg18[%get3A_490] {strides = array<i32>} : memref<128xf32, #tpu.memory_space<vmem>>, vector<16xf32>,
    %get3A_492 = vector.shape_cast %get3A_491 : vector<16xf32> to vector<16xf32>
    %get3A_493 = arith.constant 96 : index
    %get3A_494 = tpu.vector_load %arg12[%get3A_493] {strides = array<i32>} : memref<128xf32, #tpu.memory_space<vmem>>, vector<16xf32>,
    %get3A_495 = vector.shape_cast %get3A_494 : vector<16xf32> to vector<16xf32>
    %sub3A_496 = arith.subf %get3A_492, %get3A_495 : vector<16xf32>
    %get3A_497 = arith.constant 96 : index
    %get3A_498 = tpu.vector_load %arg13[%get3A_497] {strides = array<i32>} : memref<128xf32, #tpu.memory_space<vmem>>, vector<16xf32>,
    %get3A_499 = vector.shape_cast %get3A_498 : vector<16xf32> to vector<16xf32>
    %mul3A_500 = arith.mulf %sub3A_482, %get3A_499 : vector<16xf32>
    %get3A_501 = arith.constant 96 : index
    %get3A_502 = tpu.vector_load %arg14[%get3A_501] {strides = array<i32>} : memref<128xf32, #tpu.memory_space<vmem>>, vector<16xf32>,
    %get3A_503 = vector.shape_cast %get3A_502 : vector<16xf32> to vector<16xf32>
    %mul3A_504 = arith.mulf %sub3A_489, %get3A_503 : vector<16xf32>
    %add3A_505 = arith.addf %mul3A_500, %mul3A_504 : vector<16xf32>
    %get3A_506 = arith.constant 96 : index
    %get3A_507 = tpu.vector_load %arg15[%get3A_506] {strides = array<i32>} : memref<128xf32, #tpu.memory_space<vmem>>, vector<16xf32>,
    %get3A_508 = vector.shape_cast %get3A_507 : vector<16xf32> to vector<16xf32>
    %mul3A_509 = arith.mulf %sub3A_496, %get3A_508 : vector<16xf32>
    %add3A_510 = arith.addf %add3A_505, %mul3A_509 : vector<16xf32>
    %mul3A_511 = arith.mulf %sub3A_482, %sub3A_482 : vector<16xf32>
    %mul3A_512 = arith.mulf %sub3A_489, %sub3A_489 : vector<16xf32>
    %add3A_513 = arith.addf %mul3A_511, %mul3A_512 : vector<16xf32>
    %mul3A_514 = arith.mulf %sub3A_496, %sub3A_496 : vector<16xf32>
    %add3A_515 = arith.addf %add3A_513, %mul3A_514 : vector<16xf32>
    %mul3A_516 = arith.mulf %add3A_510, %add3A_510 : vector<16xf32>
    %max3A_517 = arith.constant 1.000000e-30 : f32
    %max3A_518 = vector.broadcast %max3A_517 : f32 to vector<16xf32>
    %max3A_519 = arith.maximumf %add3A_515, %max3A_518 : vector<16xf32>
    %div3A_520 = arith.divf %mul3A_516, %max3A_519 : vector<16xf32>
    %add3A_521 = arith.addf %add3A_475, %div3A_520 : vector<16xf32>
    %get3A_522 = arith.constant 112 : index
    %get3A_523 = tpu.vector_load %arg16[%get3A_522] {strides = array<i32>} : memref<128xf32, #tpu.memory_space<vmem>>, vector<16xf32>,
    %get3A_524 = vector.shape_cast %get3A_523 : vector<16xf32> to vector<16xf32>
    %get3A_525 = arith.constant 112 : index
    %get3A_526 = tpu.vector_load %arg10[%get3A_525] {strides = array<i32>} : memref<128xf32, #tpu.memory_space<vmem>>, vector<16xf32>,
    %get3A_527 = vector.shape_cast %get3A_526 : vector<16xf32> to vector<16xf32>
    %sub3A_528 = arith.subf %get3A_524, %get3A_527 : vector<16xf32>
    %get3A_529 = arith.constant 112 : index
    %get3A_530 = tpu.vector_load %arg17[%get3A_529] {strides = array<i32>} : memref<128xf32, #tpu.memory_space<vmem>>, vector<16xf32>,
    %get3A_531 = vector.shape_cast %get3A_530 : vector<16xf32> to vector<16xf32>
    %get3A_532 = arith.constant 112 : index
    %get3A_533 = tpu.vector_load %arg11[%get3A_532] {strides = array<i32>} : memref<128xf32, #tpu.memory_space<vmem>>, vector<16xf32>,
    %get3A_534 = vector.shape_cast %get3A_533 : vector<16xf32> to vector<16xf32>
    %sub3A_535 = arith.subf %get3A_531, %get3A_534 : vector<16xf32>
    %get3A_536 = arith.constant 112 : index
    %get3A_537 = tpu.vector_load %arg18[%get3A_536] {strides = array<i32>} : memref<128xf32, #tpu.memory_space<vmem>>, vector<16xf32>,
    %get3A_538 = vector.shape_cast %get3A_537 : vector<16xf32> to vector<16xf32>
    %get3A_539 = arith.constant 112 : index
    %get3A_540 = tpu.vector_load %arg12[%get3A_539] {strides = array<i32>} : memref<128xf32, #tpu.memory_space<vmem>>, vector<16xf32>,
    %get3A_541 = vector.shape_cast %get3A_540 : vector<16xf32> to vector<16xf32>
    %sub3A_542 = arith.subf %get3A_538, %get3A_541 : vector<16xf32>
    %get3A_543 = arith.constant 112 : index
    %get3A_544 = tpu.vector_load %arg13[%get3A_543] {strides = array<i32>} : memref<128xf32, #tpu.memory_space<vmem>>, vector<16xf32>,
    %get3A_545 = vector.shape_cast %get3A_544 : vector<16xf32> to vector<16xf32>
    %mul3A_546 = arith.mulf %sub3A_528, %get3A_545 : vector<16xf32>
    %get3A_547 = arith.constant 112 : index
    %get3A_548 = tpu.vector_load %arg14[%get3A_547] {strides = array<i32>} : memref<128xf32, #tpu.memory_space<vmem>>, vector<16xf32>,
    %get3A_549 = vector.shape_cast %get3A_548 : vector<16xf32> to vector<16xf32>
    %mul3A_550 = arith.mulf %sub3A_535, %get3A_549 : vector<16xf32>
    %add3A_551 = arith.addf %mul3A_546, %mul3A_550 : vector<16xf32>
    %get3A_552 = arith.constant 112 : index
    %get3A_553 = tpu.vector_load %arg15[%get3A_552] {strides = array<i32>} : memref<128xf32, #tpu.memory_space<vmem>>, vector<16xf32>,
    %get3A_554 = vector.shape_cast %get3A_553 : vector<16xf32> to vector<16xf32>
    %mul3A_555 = arith.mulf %sub3A_542, %get3A_554 : vector<16xf32>
    %add3A_556 = arith.addf %add3A_551, %mul3A_555 : vector<16xf32>
    %mul3A_557 = arith.mulf %sub3A_528, %sub3A_528 : vector<16xf32>
    %mul3A_558 = arith.mulf %sub3A_535, %sub3A_535 : vector<16xf32>
    %add3A_559 = arith.addf %mul3A_557, %mul3A_558 : vector<16xf32>
    %mul3A_560 = arith.mulf %sub3A_542, %sub3A_542 : vector<16xf32>
    %add3A_561 = arith.addf %add3A_559, %mul3A_560 : vector<16xf32>
    %mul3A_562 = arith.mulf %add3A_556, %add3A_556 : vector<16xf32>
    %max3A_563 = arith.constant 1.000000e-30 : f32
    %max3A_564 = vector.broadcast %max3A_563 : f32 to vector<16xf32>
    %max3A_565 = arith.maximumf %add3A_561, %max3A_564 : vector<16xf32>
    %div3A_566 = arith.divf %mul3A_562, %max3A_565 : vector<16xf32>
    %add3A_567 = arith.addf %add3A_521, %div3A_566 : vector<16xf32>
    %swap3A_568 = arith.constant 0 : index
    %swap3A_569 = tpu.vector_load %arg19[%swap3A_568] {strides = array<i32>} : memref<16xf32, #tpu.memory_space<vmem>>, vector<16xf32>,
    %swap3A_570 = vector.shape_cast %swap3A_569 : vector<16xf32> to vector<16xf32>
    %swap3A_571 = vector.shape_cast %add3A_567 : vector<16xf32> to vector<16xf32>
    tpu.vector_store %arg19[%swap3A_568], %swap3A_571 {strides = array<i32>} : memref<16xf32, #tpu.memory_space<vmem>>, vector<16xf32>,
    %mul3A_572 = arith.constant 16 : i32
    %mul3A_573 = arith.muli %arg1, %mul3A_572 : i32
    "tpu.region"() ({
      %run_scoped3A = tpu.sem_alloc : memref<!tpu.dma_semaphore, #tpu.memory_space<semaphore_mem>>
      %dma_start3A_577 = tpu.memref_slice %arg22[%mul3A_573] : memref<256xf32, #tpu.memory_space<vmem_shared>> -> memref<16xf32, #tpu.memory_space<vmem_shared>>
      %dma_start3A_578 = tpu.memref_slice %arg22[%mul3A_573] : memref<256xf32, #tpu.memory_space<vmem_shared>> -> memref<16xf32, #tpu.memory_space<vmem_shared>>
      tpu.enqueue_dma source(%arg19 : memref<16xf32, #tpu.memory_space<vmem>>) target(%dma_start3A_578 : memref<16xf32, #tpu.memory_space<vmem_shared>>) target_semaphore(%run_scoped3A : memref<!tpu.dma_semaphore, #tpu.memory_space<semaphore_mem>>)
      %dma_wait3A_579 = tpu.memref_slice %arg22[%mul3A_573] : memref<256xf32, #tpu.memory_space<vmem_shared>> -> memref<16xf32, #tpu.memory_space<vmem_shared>>
      %dma_wait3A_580 = tpu.memref_slice %arg22[%mul3A_573] : memref<256xf32, #tpu.memory_space<vmem_shared>> -> memref<16xf32, #tpu.memory_space<vmem_shared>>
      tpu.wait_dma2 semaphore(%run_scoped3A : memref<!tpu.dma_semaphore, #tpu.memory_space<semaphore_mem>>) src(%arg19 : memref<16xf32, #tpu.memory_space<vmem>>) dst(%dma_wait3A_580 : memref<16xf32, #tpu.memory_space<vmem_shared>>)
      tpu.yield
    }) : () -> ()
    %barrier3A = arith.constant 0 : index
    tpu.barrier barrier_id(%barrier3A)
    %eq3A_574 = arith.constant 0 : i32
    %eq3A_575 = arith.cmpi eq, %arg1, %eq3A_574 : i32
    %convert_element_type3A = arith.extui %eq3A_575 : i1 to i32
    %cond3A = arith.constant 0 : i32
    %cond3A_576 = arith.cmpi ne, %convert_element_type3A, %cond3A : i32
    scf.if %cond3A_576 {
      "tpu.region"() ({
        %run_scoped3A = tpu.sem_alloc : memref<!tpu.dma_semaphore, #tpu.memory_space<semaphore_mem>>
        tpu.enqueue_dma source(%arg22 : memref<256xf32, #tpu.memory_space<vmem_shared>>) target(%arg20 : memref<256xf32, #tpu.memory_space<vmem>>) target_semaphore(%run_scoped3A : memref<!tpu.dma_semaphore, #tpu.memory_space<semaphore_mem>>)
        tpu.wait_dma2 semaphore(%run_scoped3A : memref<!tpu.dma_semaphore, #tpu.memory_space<semaphore_mem>>) src(%arg22 : memref<256xf32, #tpu.memory_space<vmem_shared>>) dst(%arg20 : memref<256xf32, #tpu.memory_space<vmem>>)
        tpu.yield
      }) : () -> ()
      %get3A_577 = arith.constant 0 : index
      %get3A_578 = tpu.vector_load %arg20[%get3A_577] {strides = array<i32>} : memref<256xf32, #tpu.memory_space<vmem>>, vector<16xf32>,
      %get3A_579 = vector.shape_cast %get3A_578 : vector<16xf32> to vector<16xf32>
      %get3A_580 = arith.constant 16 : index
      %get3A_581 = tpu.vector_load %arg20[%get3A_580] {strides = array<i32>} : memref<256xf32, #tpu.memory_space<vmem>>, vector<16xf32>,
      %get3A_582 = vector.shape_cast %get3A_581 : vector<16xf32> to vector<16xf32>
      %add3A_583 = arith.addf %get3A_579, %get3A_582 : vector<16xf32>
      %get3A_584 = arith.constant 32 : index
      %get3A_585 = tpu.vector_load %arg20[%get3A_584] {strides = array<i32>} : memref<256xf32, #tpu.memory_space<vmem>>, vector<16xf32>,
      %get3A_586 = vector.shape_cast %get3A_585 : vector<16xf32> to vector<16xf32>
      %add3A_587 = arith.addf %add3A_583, %get3A_586 : vector<16xf32>
      %get3A_588 = arith.constant 48 : index
      %get3A_589 = tpu.vector_load %arg20[%get3A_588] {strides = array<i32>} : memref<256xf32, #tpu.memory_space<vmem>>, vector<16xf32>,
      %get3A_590 = vector.shape_cast %get3A_589 : vector<16xf32> to vector<16xf32>
      %add3A_591 = arith.addf %add3A_587, %get3A_590 : vector<16xf32>
      %get3A_592 = arith.constant 64 : index
      %get3A_593 = tpu.vector_load %arg20[%get3A_592] {strides = array<i32>} : memref<256xf32, #tpu.memory_space<vmem>>, vector<16xf32>,
      %get3A_594 = vector.shape_cast %get3A_593 : vector<16xf32> to vector<16xf32>
      %add3A_595 = arith.addf %add3A_591, %get3A_594 : vector<16xf32>
      %get3A_596 = arith.constant 80 : index
      %get3A_597 = tpu.vector_load %arg20[%get3A_596] {strides = array<i32>} : memref<256xf32, #tpu.memory_space<vmem>>, vector<16xf32>,
      %get3A_598 = vector.shape_cast %get3A_597 : vector<16xf32> to vector<16xf32>
      %add3A_599 = arith.addf %add3A_595, %get3A_598 : vector<16xf32>
      %get3A_600 = arith.constant 96 : index
      %get3A_601 = tpu.vector_load %arg20[%get3A_600] {strides = array<i32>} : memref<256xf32, #tpu.memory_space<vmem>>, vector<16xf32>,
      %get3A_602 = vector.shape_cast %get3A_601 : vector<16xf32> to vector<16xf32>
      %add3A_603 = arith.addf %add3A_599, %get3A_602 : vector<16xf32>
      %get3A_604 = arith.constant 112 : index
      %get3A_605 = tpu.vector_load %arg20[%get3A_604] {strides = array<i32>} : memref<256xf32, #tpu.memory_space<vmem>>, vector<16xf32>,
      %get3A_606 = vector.shape_cast %get3A_605 : vector<16xf32> to vector<16xf32>
      %add3A_607 = arith.addf %add3A_603, %get3A_606 : vector<16xf32>
      %get3A_608 = arith.constant 128 : index
      %get3A_609 = tpu.vector_load %arg20[%get3A_608] {strides = array<i32>} : memref<256xf32, #tpu.memory_space<vmem>>, vector<16xf32>,
      %get3A_610 = vector.shape_cast %get3A_609 : vector<16xf32> to vector<16xf32>
      %add3A_611 = arith.addf %add3A_607, %get3A_610 : vector<16xf32>
      %get3A_612 = arith.constant 144 : index
      %get3A_613 = tpu.vector_load %arg20[%get3A_612] {strides = array<i32>} : memref<256xf32, #tpu.memory_space<vmem>>, vector<16xf32>,
      %get3A_614 = vector.shape_cast %get3A_613 : vector<16xf32> to vector<16xf32>
      %add3A_615 = arith.addf %add3A_611, %get3A_614 : vector<16xf32>
      %get3A_616 = arith.constant 160 : index
      %get3A_617 = tpu.vector_load %arg20[%get3A_616] {strides = array<i32>} : memref<256xf32, #tpu.memory_space<vmem>>, vector<16xf32>,
      %get3A_618 = vector.shape_cast %get3A_617 : vector<16xf32> to vector<16xf32>
      %add3A_619 = arith.addf %add3A_615, %get3A_618 : vector<16xf32>
      %get3A_620 = arith.constant 176 : index
      %get3A_621 = tpu.vector_load %arg20[%get3A_620] {strides = array<i32>} : memref<256xf32, #tpu.memory_space<vmem>>, vector<16xf32>,
      %get3A_622 = vector.shape_cast %get3A_621 : vector<16xf32> to vector<16xf32>
      %add3A_623 = arith.addf %add3A_619, %get3A_622 : vector<16xf32>
      %get3A_624 = arith.constant 192 : index
      %get3A_625 = tpu.vector_load %arg20[%get3A_624] {strides = array<i32>} : memref<256xf32, #tpu.memory_space<vmem>>, vector<16xf32>,
      %get3A_626 = vector.shape_cast %get3A_625 : vector<16xf32> to vector<16xf32>
      %add3A_627 = arith.addf %add3A_623, %get3A_626 : vector<16xf32>
      %get3A_628 = arith.constant 208 : index
      %get3A_629 = tpu.vector_load %arg20[%get3A_628] {strides = array<i32>} : memref<256xf32, #tpu.memory_space<vmem>>, vector<16xf32>,
      %get3A_630 = vector.shape_cast %get3A_629 : vector<16xf32> to vector<16xf32>
      %add3A_631 = arith.addf %add3A_627, %get3A_630 : vector<16xf32>
      %get3A_632 = arith.constant 224 : index
      %get3A_633 = tpu.vector_load %arg20[%get3A_632] {strides = array<i32>} : memref<256xf32, #tpu.memory_space<vmem>>, vector<16xf32>,
      %get3A_634 = vector.shape_cast %get3A_633 : vector<16xf32> to vector<16xf32>
      %add3A_635 = arith.addf %add3A_631, %get3A_634 : vector<16xf32>
      %get3A_636 = arith.constant 240 : index
      %get3A_637 = tpu.vector_load %arg20[%get3A_636] {strides = array<i32>} : memref<256xf32, #tpu.memory_space<vmem>>, vector<16xf32>,
      %get3A_638 = vector.shape_cast %get3A_637 : vector<16xf32> to vector<16xf32>
      %add3A_639 = arith.addf %add3A_635, %get3A_638 : vector<16xf32>
      %slice3A = vector.extract_strided_slice %add3A_639 {offsets = [0], sizes = [1], strides = [1]} : vector<16xf32> to vector<1xf32>
      %squeeze3A = vector.extract %slice3A[0] : f32 from vector<1xf32>
      %slice3A_640 = vector.extract_strided_slice %add3A_639 {offsets = [1], sizes = [1], strides = [1]} : vector<16xf32> to vector<1xf32>
      %squeeze3A_641 = vector.extract %slice3A_640[0] : f32 from vector<1xf32>
      %add3A_642 = arith.addf %squeeze3A, %squeeze3A_641 : f32
      %slice3A_643 = vector.extract_strided_slice %add3A_639 {offsets = [2], sizes = [1], strides = [1]} : vector<16xf32> to vector<1xf32>
      %squeeze3A_644 = vector.extract %slice3A_643[0] : f32 from vector<1xf32>
      %add3A_645 = arith.addf %add3A_642, %squeeze3A_644 : f32
      %slice3A_646 = vector.extract_strided_slice %add3A_639 {offsets = [3], sizes = [1], strides = [1]} : vector<16xf32> to vector<1xf32>
      %squeeze3A_647 = vector.extract %slice3A_646[0] : f32 from vector<1xf32>
      %add3A_648 = arith.addf %add3A_645, %squeeze3A_647 : f32
      %slice3A_649 = vector.extract_strided_slice %add3A_639 {offsets = [4], sizes = [1], strides = [1]} : vector<16xf32> to vector<1xf32>
      %squeeze3A_650 = vector.extract %slice3A_649[0] : f32 from vector<1xf32>
      %add3A_651 = arith.addf %add3A_648, %squeeze3A_650 : f32
      %slice3A_652 = vector.extract_strided_slice %add3A_639 {offsets = [5], sizes = [1], strides = [1]} : vector<16xf32> to vector<1xf32>
      %squeeze3A_653 = vector.extract %slice3A_652[0] : f32 from vector<1xf32>
      %add3A_654 = arith.addf %add3A_651, %squeeze3A_653 : f32
      %slice3A_655 = vector.extract_strided_slice %add3A_639 {offsets = [6], sizes = [1], strides = [1]} : vector<16xf32> to vector<1xf32>
      %squeeze3A_656 = vector.extract %slice3A_655[0] : f32 from vector<1xf32>
      %add3A_657 = arith.addf %add3A_654, %squeeze3A_656 : f32
      %slice3A_658 = vector.extract_strided_slice %add3A_639 {offsets = [7], sizes = [1], strides = [1]} : vector<16xf32> to vector<1xf32>
      %squeeze3A_659 = vector.extract %slice3A_658[0] : f32 from vector<1xf32>
      %add3A_660 = arith.addf %add3A_657, %squeeze3A_659 : f32
      %slice3A_661 = vector.extract_strided_slice %add3A_639 {offsets = [8], sizes = [1], strides = [1]} : vector<16xf32> to vector<1xf32>
      %squeeze3A_662 = vector.extract %slice3A_661[0] : f32 from vector<1xf32>
      %add3A_663 = arith.addf %add3A_660, %squeeze3A_662 : f32
      %slice3A_664 = vector.extract_strided_slice %add3A_639 {offsets = [9], sizes = [1], strides = [1]} : vector<16xf32> to vector<1xf32>
      %squeeze3A_665 = vector.extract %slice3A_664[0] : f32 from vector<1xf32>
      %add3A_666 = arith.addf %add3A_663, %squeeze3A_665 : f32
      %slice3A_667 = vector.extract_strided_slice %add3A_639 {offsets = [10], sizes = [1], strides = [1]} : vector<16xf32> to vector<1xf32>
      %squeeze3A_668 = vector.extract %slice3A_667[0] : f32 from vector<1xf32>
      %add3A_669 = arith.addf %add3A_666, %squeeze3A_668 : f32
      %slice3A_670 = vector.extract_strided_slice %add3A_639 {offsets = [11], sizes = [1], strides = [1]} : vector<16xf32> to vector<1xf32>
      %squeeze3A_671 = vector.extract %slice3A_670[0] : f32 from vector<1xf32>
      %add3A_672 = arith.addf %add3A_669, %squeeze3A_671 : f32
      %slice3A_673 = vector.extract_strided_slice %add3A_639 {offsets = [12], sizes = [1], strides = [1]} : vector<16xf32> to vector<1xf32>
      %squeeze3A_674 = vector.extract %slice3A_673[0] : f32 from vector<1xf32>
      %add3A_675 = arith.addf %add3A_672, %squeeze3A_674 : f32
      %slice3A_676 = vector.extract_strided_slice %add3A_639 {offsets = [13], sizes = [1], strides = [1]} : vector<16xf32> to vector<1xf32>
      %squeeze3A_677 = vector.extract %slice3A_676[0] : f32 from vector<1xf32>
      %add3A_678 = arith.addf %add3A_675, %squeeze3A_677 : f32
      %slice3A_679 = vector.extract_strided_slice %add3A_639 {offsets = [14], sizes = [1], strides = [1]} : vector<16xf32> to vector<1xf32>
      %squeeze3A_680 = vector.extract %slice3A_679[0] : f32 from vector<1xf32>
      %add3A_681 = arith.addf %add3A_678, %squeeze3A_680 : f32
      %slice3A_682 = vector.extract_strided_slice %add3A_639 {offsets = [15], sizes = [1], strides = [1]} : vector<16xf32> to vector<1xf32>
      %squeeze3A_683 = vector.extract %slice3A_682[0] : f32 from vector<1xf32>
      %add3A_684 = arith.addf %add3A_681, %squeeze3A_683 : f32
      %mul3A_685 = arith.constant 2.44140625E-4 : f32
      %mul3A_686 = arith.mulf %add3A_684, %mul3A_685 : f32
      %broadcast_in_dim3A_687 = vector.broadcast %mul3A_686 : f32 to vector<16xf32>
      %swap3A_688 = arith.constant 0 : index
      %swap3A_689 = tpu.vector_load %arg21[%swap3A_688] {strides = array<i32>} : memref<16xf32, #tpu.memory_space<vmem>>, vector<16xf32>,
      %swap3A_690 = vector.shape_cast %swap3A_689 : vector<16xf32> to vector<16xf32>
      %swap3A_691 = vector.shape_cast %broadcast_in_dim3A_687 : vector<16xf32> to vector<16xf32>
      tpu.vector_store %arg21[%swap3A_688], %swap3A_691 {strides = array<i32>} : memref<16xf32, #tpu.memory_space<vmem>>, vector<16xf32>,
      %mul3A_692 = arith.constant 16 : i32
      %mul3A_693 = arith.muli %arg0, %mul3A_692 : i32
      "tpu.region"() ({
        %run_scoped3A = tpu.sem_alloc : memref<!tpu.dma_semaphore, #tpu.memory_space<semaphore_mem>>
        %dma_start3A_694 = tpu.memref_slice %arg6[%mul3A_693] : memref<32xf32, #tpu.memory_space<hbm>> -> memref<16xf32, #tpu.memory_space<hbm>>
        %dma_start3A_695 = tpu.memref_slice %arg6[%mul3A_693] : memref<32xf32, #tpu.memory_space<hbm>> -> memref<16xf32, #tpu.memory_space<hbm>>
        tpu.enqueue_dma source(%arg21 : memref<16xf32, #tpu.memory_space<vmem>>) target(%dma_start3A_695 : memref<16xf32, #tpu.memory_space<hbm>>) target_semaphore(%run_scoped3A : memref<!tpu.dma_semaphore, #tpu.memory_space<semaphore_mem>>)
        %dma_wait3A_696 = tpu.memref_slice %arg6[%mul3A_693] : memref<32xf32, #tpu.memory_space<hbm>> -> memref<16xf32, #tpu.memory_space<hbm>>
        %dma_wait3A_697 = tpu.memref_slice %arg6[%mul3A_693] : memref<32xf32, #tpu.memory_space<hbm>> -> memref<16xf32, #tpu.memory_space<hbm>>
        tpu.wait_dma2 semaphore(%run_scoped3A : memref<!tpu.dma_semaphore, #tpu.memory_space<semaphore_mem>>) src(%arg21 : memref<16xf32, #tpu.memory_space<vmem>>) dst(%dma_wait3A_697 : memref<16xf32, #tpu.memory_space<hbm>>)
        tpu.yield
      }) : () -> ()
    } else {
    }
    return
  }
}

module attributes {stable_mosaic.version = 14 : i64} {
  func.func @_argmin_body(%arg0: i32, %arg1: i32, %arg2: memref<1x512x4xf32, #tpu.memory_space<vmem>>, %arg3: memref<1x3x2048xf32, #tpu.memory_space<vmem>>, %arg4: memref<1x512x1xi32, #tpu.memory_space<vmem>>, %arg5: memref<512x1xf32, #tpu.memory_space<vmem>>, %arg6: memref<512x1xi32, #tpu.memory_space<vmem>>) attributes {dimension_semantics = [#tpu.dimension_semantics<arbitrary>, #tpu.dimension_semantics<arbitrary>], iteration_bounds = array<i64: 8, 8>, scalar_prefetch = 0 : i64, scratch_operands = 2 : i64, tpu.core_type = #tpu.core_type<tc>, window_params = [{transform_indices = @transform_0, window_bounds = array<i64: 1, 512, 4>}, {transform_indices = @transform_1, window_bounds = array<i64: 1, 3, 2048>}, {transform_indices = @transform_2, window_bounds = array<i64: 1, 512, 1>}]} {
    %eq3A = arith.constant 0 : i32
    %eq3A_0 = arith.cmpi eq, %arg1, %eq3A : i32
    %convert_element_type3A = arith.extui %eq3A_0 : i1 to i32
    %cond3A = arith.constant 0 : i32
    %cond3A_1 = arith.cmpi ne, %convert_element_type3A, %cond3A : i32
    scf.if %cond3A_1 {
      %broadcast_in_dim3A_79 = arith.constant 0x7F800000 : f32
      %broadcast_in_dim3A_80 = vector.broadcast %broadcast_in_dim3A_79 : f32 to vector<512x1xf32>
      %swap3A_81 = arith.constant 0 : index
      %swap3A_82 = arith.constant 0 : index
      %swap3A_83 = vector.load %arg5[%swap3A_81, %swap3A_82] : memref<512x1xf32, #tpu.memory_space<vmem>>, vector<512x1xf32>
      tpu.vector_store %arg5[%swap3A_81, %swap3A_82], %broadcast_in_dim3A_80 {strides = array<i32>} : memref<512x1xf32, #tpu.memory_space<vmem>>, vector<512x1xf32>,
      %broadcast_in_dim3A_84 = arith.constant 0 : i32
      %broadcast_in_dim3A_85 = vector.broadcast %broadcast_in_dim3A_84 : i32 to vector<512x1xi32>
      %swap3A_86 = arith.constant 0 : index
      %swap3A_87 = arith.constant 0 : index
      %swap3A_88 = vector.load %arg6[%swap3A_86, %swap3A_87] : memref<512x1xi32, #tpu.memory_space<vmem>>, vector<512x1xi32>
      tpu.vector_store %arg6[%swap3A_86, %swap3A_87], %broadcast_in_dim3A_85 {strides = array<i32>} : memref<512x1xi32, #tpu.memory_space<vmem>>, vector<512x1xi32>,
    } else {
    }
    %get3A = arith.constant 0 : index
    %get3A_2 = arith.constant 0 : index
    %get3A_3 = arith.constant 0 : index
    %get3A_4 = vector.load %arg3[%get3A, %get3A_2, %get3A_3] : memref<1x3x2048xf32, #tpu.memory_space<vmem>>, vector<1x1x2048xf32>
    %get3A_5 = vector.shape_cast %get3A_4 : vector<1x1x2048xf32> to vector<1x2048xf32>
    %get3A_6 = arith.constant 0 : index
    %get3A_7 = arith.constant 1 : index
    %get3A_8 = arith.constant 0 : index
    %get3A_9 = vector.load %arg3[%get3A_6, %get3A_7, %get3A_8] : memref<1x3x2048xf32, #tpu.memory_space<vmem>>, vector<1x1x2048xf32>
    %get3A_10 = vector.shape_cast %get3A_9 : vector<1x1x2048xf32> to vector<1x2048xf32>
    %get3A_11 = arith.constant 0 : index
    %get3A_12 = arith.constant 2 : index
    %get3A_13 = arith.constant 0 : index
    %get3A_14 = vector.load %arg3[%get3A_11, %get3A_12, %get3A_13] : memref<1x3x2048xf32, #tpu.memory_space<vmem>>, vector<1x1x2048xf32>
    %get3A_15 = vector.shape_cast %get3A_14 : vector<1x1x2048xf32> to vector<1x2048xf32>
    %mul3A = arith.mulf %get3A_5, %get3A_5 : vector<1x2048xf32>
    %mul3A_16 = arith.mulf %get3A_10, %get3A_10 : vector<1x2048xf32>
    %add3A = arith.addf %mul3A, %mul3A_16 : vector<1x2048xf32>
    %mul3A_17 = arith.mulf %get3A_15, %get3A_15 : vector<1x2048xf32>
    %add3A_18 = arith.addf %add3A, %mul3A_17 : vector<1x2048xf32>
    %get3A_19 = arith.constant 0 : index
    %get3A_20 = arith.constant 0 : index
    %get3A_21 = arith.constant 3 : index
    %get3A_22 = vector.load %arg2[%get3A_19, %get3A_20, %get3A_21] : memref<1x512x4xf32, #tpu.memory_space<vmem>>, vector<1x512x1xf32>
    %get3A_23 = vector.shape_cast %get3A_22 : vector<1x512x1xf32> to vector<512x1xf32>
    %add3A_24 = vector.broadcast %get3A_23 : vector<512x1xf32> to vector<512x2048xf32>
    %add3A_25 = vector.broadcast %add3A_18 : vector<1x2048xf32> to vector<512x2048xf32>
    %add3A_26 = arith.addf %add3A_24, %add3A_25 : vector<512x2048xf32>
    %get3A_27 = arith.constant 0 : index
    %get3A_28 = arith.constant 0 : index
    %get3A_29 = arith.constant 0 : index
    %get3A_30 = vector.load %arg2[%get3A_27, %get3A_28, %get3A_29] : memref<1x512x4xf32, #tpu.memory_space<vmem>>, vector<1x512x1xf32>
    %get3A_31 = vector.shape_cast %get3A_30 : vector<1x512x1xf32> to vector<512x1xf32>
    %mul3A_32 = vector.broadcast %get3A_31 : vector<512x1xf32> to vector<512x2048xf32>
    %mul3A_33 = vector.broadcast %get3A_5 : vector<1x2048xf32> to vector<512x2048xf32>
    %mul3A_34 = arith.mulf %mul3A_32, %mul3A_33 : vector<512x2048xf32>
    %add3A_35 = arith.addf %add3A_26, %mul3A_34 : vector<512x2048xf32>
    %get3A_36 = arith.constant 0 : index
    %get3A_37 = arith.constant 0 : index
    %get3A_38 = arith.constant 1 : index
    %get3A_39 = vector.load %arg2[%get3A_36, %get3A_37, %get3A_38] : memref<1x512x4xf32, #tpu.memory_space<vmem>>, vector<1x512x1xf32>
    %get3A_40 = vector.shape_cast %get3A_39 : vector<1x512x1xf32> to vector<512x1xf32>
    %mul3A_41 = vector.broadcast %get3A_40 : vector<512x1xf32> to vector<512x2048xf32>
    %mul3A_42 = vector.broadcast %get3A_10 : vector<1x2048xf32> to vector<512x2048xf32>
    %mul3A_43 = arith.mulf %mul3A_41, %mul3A_42 : vector<512x2048xf32>
    %add3A_44 = arith.addf %add3A_35, %mul3A_43 : vector<512x2048xf32>
    %get3A_45 = arith.constant 0 : index
    %get3A_46 = arith.constant 0 : index
    %get3A_47 = arith.constant 2 : index
    %get3A_48 = vector.load %arg2[%get3A_45, %get3A_46, %get3A_47] : memref<1x512x4xf32, #tpu.memory_space<vmem>>, vector<1x512x1xf32>
    %get3A_49 = vector.shape_cast %get3A_48 : vector<1x512x1xf32> to vector<512x1xf32>
    %mul3A_50 = vector.broadcast %get3A_49 : vector<512x1xf32> to vector<512x2048xf32>
    %mul3A_51 = vector.broadcast %get3A_15 : vector<1x2048xf32> to vector<512x2048xf32>
    %mul3A_52 = arith.mulf %mul3A_50, %mul3A_51 : vector<512x2048xf32>
    %add3A_53 = arith.addf %add3A_44, %mul3A_52 : vector<512x2048xf32>
    %iota3A = tpu.iota {dimensions = array<i32: 1>} : vector<512x2048xi32>
    %bitcast_convert_type3A = tpu.bitcast %add3A_53 : vector<512x2048xf32> -> vector<512x2048xi32>
    %and3A = arith.constant -2048 : i32
    %and3A_54 = vector.broadcast %and3A : i32 to vector<512x2048xi32>
    %and3A_55 = arith.andi %bitcast_convert_type3A, %and3A_54 : vector<512x2048xi32>
    %or3A = arith.ori %and3A_55, %iota3A : vector<512x2048xi32>
    %bitcast_convert_type3A_56 = tpu.bitcast %or3A : vector<512x2048xi32> -> vector<512x2048xf32>
    %reduce_min3A = arith.constant dense<0x7F800000> : vector<512xf32>
    %reduce_min3A_57 = vector.multi_reduction <minimumf>, %bitcast_convert_type3A_56, %reduce_min3A [1] : vector<512x2048xf32> to vector<512xf32>
    %broadcast_in_dim3A = vector.shape_cast %reduce_min3A_57 : vector<512xf32> to vector<512x1xf32>
    %get3A_58 = arith.constant 0 : index
    %get3A_59 = arith.constant 0 : index
    %get3A_60 = vector.load %arg5[%get3A_58, %get3A_59] : memref<512x1xf32, #tpu.memory_space<vmem>>, vector<512x1xf32>
    %lt3A = arith.cmpf olt, %broadcast_in_dim3A, %get3A_60 : vector<512x1xf32>
    %get3A_61 = arith.constant 0 : index
    %get3A_62 = arith.constant 0 : index
    %get3A_63 = vector.load %arg5[%get3A_61, %get3A_62] : memref<512x1xf32, #tpu.memory_space<vmem>>, vector<512x1xf32>
    %select_n3A = arith.select %lt3A, %broadcast_in_dim3A, %get3A_63 : vector<512x1xi1>, vector<512x1xf32>
    %swap3A = arith.constant 0 : index
    %swap3A_64 = arith.constant 0 : index
    %swap3A_65 = vector.load %arg5[%swap3A, %swap3A_64] : memref<512x1xf32, #tpu.memory_space<vmem>>, vector<512x1xf32>
    tpu.vector_store %arg5[%swap3A, %swap3A_64], %select_n3A {strides = array<i32>} : memref<512x1xf32, #tpu.memory_space<vmem>>, vector<512x1xf32>,
    %broadcast_in_dim3A_66 = vector.broadcast %arg1 : i32 to vector<512x1xi32>
    %get3A_67 = arith.constant 0 : index
    %get3A_68 = arith.constant 0 : index
    %get3A_69 = vector.load %arg6[%get3A_67, %get3A_68] : memref<512x1xi32, #tpu.memory_space<vmem>>, vector<512x1xi32>
    %select_n3A_70 = arith.select %lt3A, %broadcast_in_dim3A_66, %get3A_69 : vector<512x1xi1>, vector<512x1xi32>
    %swap3A_71 = arith.constant 0 : index
    %swap3A_72 = arith.constant 0 : index
    %swap3A_73 = vector.load %arg6[%swap3A_71, %swap3A_72] : memref<512x1xi32, #tpu.memory_space<vmem>>, vector<512x1xi32>
    tpu.vector_store %arg6[%swap3A_71, %swap3A_72], %select_n3A_70 {strides = array<i32>} : memref<512x1xi32, #tpu.memory_space<vmem>>, vector<512x1xi32>,
    %eq3A_74 = arith.constant 7 : i32
    %eq3A_75 = arith.cmpi eq, %arg1, %eq3A_74 : i32
    %convert_element_type3A_76 = arith.extui %eq3A_75 : i1 to i32
    %cond3A_77 = arith.constant 0 : i32
    %cond3A_78 = arith.cmpi ne, %convert_element_type3A_76, %cond3A_77 : i32
    scf.if %cond3A_78 {
      %get3A_79 = arith.constant 0 : index
      %get3A_80 = arith.constant 0 : index
      %get3A_81 = vector.load %arg5[%get3A_79, %get3A_80] : memref<512x1xf32, #tpu.memory_space<vmem>>, vector<512x1xf32>
      %bitcast_convert_type3A_82 = tpu.bitcast %get3A_81 : vector<512x1xf32> -> vector<512x1xi32>
      %and3A_83 = arith.constant 2047 : i32
      %and3A_84 = vector.broadcast %and3A_83 : i32 to vector<512x1xi32>
      %and3A_85 = arith.andi %bitcast_convert_type3A_82, %and3A_84 : vector<512x1xi32>
      %get3A_86 = arith.constant 0 : index
      %get3A_87 = arith.constant 0 : index
      %get3A_88 = vector.load %arg6[%get3A_86, %get3A_87] : memref<512x1xi32, #tpu.memory_space<vmem>>, vector<512x1xi32>
      %mul3A_89 = arith.constant 2048 : i32
      %mul3A_90 = vector.broadcast %mul3A_89 : i32 to vector<512x1xi32>
      %mul3A_91 = arith.muli %get3A_88, %mul3A_90 : vector<512x1xi32>
      %add3A_92 = arith.addi %mul3A_91, %and3A_85 : vector<512x1xi32>
      %mul3A_93 = arith.constant 3 : i32
      %mul3A_94 = arith.muli %mul3A_93, %arg0 : i32
      %mul3A_95 = arith.constant 16384 : i32
      %mul3A_96 = arith.muli %mul3A_94, %mul3A_95 : i32
      %add3A_97 = vector.broadcast %mul3A_96 : i32 to vector<512x1xi32>
      %add3A_98 = arith.addi %add3A_92, %add3A_97 : vector<512x1xi32>
      %broadcast_in_dim3A_99 = vector.shape_cast %add3A_98 : vector<512x1xi32> to vector<1x512x1xi32>
      %swap3A_100 = arith.constant 0 : index
      %swap3A_101 = arith.constant 0 : index
      %swap3A_102 = arith.constant 0 : index
      %swap3A_103 = vector.load %arg4[%swap3A_100, %swap3A_101, %swap3A_102] : memref<1x512x1xi32, #tpu.memory_space<vmem>>, vector<1x512x1xi32>
      tpu.vector_store %arg4[%swap3A_100, %swap3A_101, %swap3A_102], %broadcast_in_dim3A_99 {strides = array<i32>} : memref<1x512x1xi32, #tpu.memory_space<vmem>>, vector<1x512x1xi32>,
    } else {
    }
    return
  }
  func.func @transform_0(%arg0: i32, %arg1: i32) -> (i32, i32, i32) {
    %c0_i32 = arith.constant 0 : i32
    %c0_i32_0 = arith.constant 0 : i32
    %c0_i32_1 = arith.constant 0 : i32
    return %arg0, %c0_i32, %c0_i32_0 : i32, i32, i32
  }
  func.func @transform_1(%arg0: i32, %arg1: i32) -> (i32, i32, i32) {
    %c0_i32 = arith.constant 0 : i32
    %c0_i32_0 = arith.constant 0 : i32
    return %arg0, %c0_i32, %arg1 : i32, i32, i32
  }
  func.func @transform_2(%arg0: i32, %arg1: i32) -> (i32, i32, i32) {
    %c0_i32 = arith.constant 0 : i32
    %c0_i32_0 = arith.constant 0 : i32
    %c0_i32_1 = arith.constant 0 : i32
    return %arg0, %c0_i32, %c0_i32_0 : i32, i32, i32
  }
}

</mosaic_0001>

<sc_bundles>
// kernel: kernel.4.cloned.1.call-start
scs
__scs_entry_jumppad:
0x0: {  	(pc) =	sbr.rel $0x88, $3  }
0x1: {  	(tag) =	ssettag $0x0;
	lr =	simm.s32 $0x1  }
0x2: {  	[smem:$0x3F9E] =	sst lr;
	_ =	strace $0xD0000000  }
0x3: {  	_ = 	snop  }
0x4: {  	_ = 	snop  }
0x5: {  	_ = 	snop  }
0x6: {  	_ = 	snop  }
0x7: {  	_ = 	snop  }
__scs_overlays_trampoline_lowered:
0x8: {  	[smem:$0x3FAD] =	sst s0  }
0x9: {  	[smem:$0x3FAE] =	sst s1  }
0xa: {  	[smem:$0x3FAF] =	sst s2  }
0xb: {  	[smem:$0x3FB0] =	sst s3  }
0xc: {  	[smem:$0x3FB1] =	sst s4  }
0xd: {  	[smem:$0x3FB2] =	sst s5  }
0xe: {  	[smem:$0x3FB3] =	sst s6  }
0xf: {  	[smem:$0x3FB4] =	sst s7  }
0x10: {  	[smem:$0x3FB5] =	sst s8  }
0x11: {  	[smem:$0x3FB6] =	sst s9;
	s0 =	simm.s32 @!p0 $0x0  }
0x12: {  	s1 =	sld [smem:$0x3F9C];
	s0 =	simm.s32 @p0 $0x1  }
0x13: {  	[smem:$0x3FB7] =	sst s0;
	s0 =	simm.s32 @!p1 $0x0  }
0x14: {  	s2 =	sld [smem:$0x3F9B];
	s0 =	simm.s32 @p1 $0x1  }
0x15: {  	[smem:$0x3FB8] =	sst s0;
	s0 =	simm.s32 @!p2 $0x0  }
0x16: {  	s3 =	sld [smem:$0x3FDB];
	s0 =	simm.s32 @p2 $0x1  }
0x17: {  	s4 =	simm.s32 $0x1BF5;
	[smem:$0x3FBA] =	sst s0  }
0x18: {  	s0 =	sld [smem:$0x3F9D];
	_ =	swait.ge [sflag:s4], $0x0  }
0x19: {  	s7 =	sld [smem:$0x3F9E]  }
0x1a: {  	s8 =	sadd.s32 $0xFFFFE003, lr  }
0x1b: {  	s9 =	sadd.s32 $0xFFFFFEF7, lr;
	s5 =	simm.s32 $0xFFFFFFFF;
	p2 =	slt.u32 s8, $0xFFFFF086  }
0x1c: {  	p1 =	slt.u32 s9, $0xF7A;
	s5 =	simm.s32 @!p2 $0x0  }
0x1d: {  	s5 =	simm.s32 @p1 $0x1;
	p0 =	seq.s32 s7, s2  }
0x1e: {  	s7 =	smul.u32 @!p0 $0xF7A, s2;
	p2 =	seq.s32 @!p0 s5, $0x0  }
0x1f: {  	s9 =	smul.u32 $0xF7A, s1;
	s8 =	simm.s32 @!p0 $0x1BF5;
	p2 =	por !p2, p0  }
0x20: {  	[sflag:s8] =	ssyncset.s32 @!p0 $0xFFFFF086;
	s6 =	sadd.s32 @!p0 s3, s7;
	s7 =	simm.s32 @!p0 $0x108  }
0x21: {  	s3 =	sadd.s32 s3, s9;
	s6 =	sadd.s32 @!p0 $0x88, s6;
	s7 =	simm.s32 @p2 $0x1082  }
0x22: {  	[simem:s7], [sflag:s8] =	dma.local @!p0 [hbm:s6], $0xF7A  }
0x23: {  	s9 =	sor.u32 $0xD0000000, s2;
	s6 =	simm.s32 $0x108;
	_ =	swait.ge @!p0 [sflag:s8], $0x0  }
0x24: {  	s3 =	sadd.s32 $0x88, s3;
	s6 =	simm.s32 @!p1 $0x1082;
	[sflag:s4] =	ssyncset.s32 $0xFFFFF086  }
0x25: {  	[simem:s6], [sflag:s4] =	dma.local [hbm:s3], $0xF7A  }
0x26: {  	[smem:$0x3F9E] =	sst s1;
	(tag) =	ssettag s2;
	_ =	strace s9  }
0x27: {  	s1 =	sld [smem:$0x3FAE]  }
0x28: {  	s2 =	sld [smem:$0x3FAF]  }
0x29: {  	s4 =	sld [smem:$0x3FB1]  }
0x2a: {  	p0 =	seq.s32 s5, $0x0;
	s5 =	sld [smem:$0x3FB2]  }
0x2b: {  	s6 =	sld [smem:$0x3FB3]  }
0x2c: {  	s7 =	sld [smem:$0x3FB4]  }
0x2d: {  	s3 =	simm.s32 $0x108;
	s8 =	sld [smem:$0x3FB5]  }
0x2e: {  	s3 =	simm.s32 @!p0 $0x1082;
	s9 =	sld [smem:$0x3FB6]  }
0x2f: {  	lr =	sadd.s32 s0, s3;
	s0 =	sld [smem:$0x3FAD]  }
0x30: {  	s3 =	sld [smem:$0x3FB0]  }
0x31: {  	[smem:$0x3FB9] =	sst s10  }
0x32: {  	s10 =	sld [smem:$0x3FB7];
	_ =	sdelay $0x3  }
0x33: {  	p0 =	seq.s32 s10, $0x1;
	s10 =	sld [smem:$0x3FB9];
	_ =	sdelay $0x3  }
0x34: {  	[smem:$0x3FB9] =	sst s10  }
0x35: {  	s10 =	sld [smem:$0x3FB8];
	_ =	sdelay $0x3  }
0x36: {  	p1 =	seq.s32 s10, $0x1;
	s10 =	sld [smem:$0x3FB9];
	_ =	sdelay $0x3  }
0x37: {  	[smem:$0x3FB9] =	sst s10  }
0x38: {  	s10 =	sld [smem:$0x3FBA]  }
0x39: {  	_ = 	snop;
	(pc) =	sbr.ind lr, $3  }
0x3a: {  	_ = 	snop  }
0x3b: {  	_ = 	snop  }
0x3c: {  	p2 =	seq.s32 s10, $0x1;
	s10 =	sld [smem:$0x3FB9]  }
0x3d: {  	_ =	shalt  }
0x3e: {  	_ =	shalt  }
0x3f: {  	_ =	shalt  }
0x40: {  	_ =	shalt  }
0x41: {  	_ =	shalt  }
0x42: {  	_ =	shalt  }
0x43: {  	_ =	shalt  }
0x44: {  	_ =	shalt  }
0x45: {  	_ =	shalt  }
0x46: {  	_ =	shalt  }
0x47: {  	_ =	shalt  }
0x48: {  	_ =	shalt  }
0x49: {  	_ =	shalt  }
0x4a: {  	_ =	shalt  }
0x4b: {  	_ =	shalt  }
0x4c: {  	_ =	shalt  }
0x4d: {  	_ =	shalt  }
0x4e: {  	_ =	shalt  }
0x4f: {  	_ =	shalt  }
0x50: {  	_ =	shalt  }
0x51: {  	_ =	shalt  }
0x52: {  	_ =	shalt  }
0x53: {  	_ =	shalt  }
0x54: {  	_ =	shalt  }
0x55: {  	_ =	shalt  }
0x56: {  	_ =	shalt  }
0x57: {  	_ =	shalt  }
0x58: {  	_ =	shalt  }
0x59: {  	_ =	shalt  }
0x5a: {  	_ =	shalt  }
0x5b: {  	_ =	shalt  }
0x5c: {  	_ =	shalt  }
0x5d: {  	_ =	shalt  }
0x5e: {  	_ =	shalt  }
0x5f: {  	_ =	shalt  }
0x60: {  	_ =	shalt  }
0x61: {  	_ =	shalt  }
0x62: {  	_ =	shalt  }
0x63: {  	_ =	shalt  }
0x64: {  	_ =	shalt  }
0x65: {  	_ =	shalt  }
0x66: {  	_ =	shalt  }
0x67: {  	_ =	shalt  }
0x68: {  	_ =	shalt  }
0x69: {  	_ =	shalt  }
0x6a: {  	_ =	shalt  }
0x6b: {  	_ =	shalt  }
0x6c: {  	_ =	shalt  }
0x6d: {  	_ =	shalt  }
0x6e: {  	_ =	shalt  }
0x6f: {  	_ =	shalt  }
0x70: {  	_ =	shalt  }
0x71: {  	_ =	shalt  }
0x72: {  	_ =	shalt  }
0x73: {  	_ =	shalt  }
0x74: {  	_ =	shalt  }
0x75: {  	_ =	shalt  }
0x76: {  	_ =	shalt  }
0x77: {  	_ =	shalt  }
0x78: {  	_ =	shalt  }
0x79: {  	_ =	shalt  }
0x7a: {  	_ =	shalt  }
0x7b: {  	_ =	shalt  }
0x7c: {  	_ =	shalt  }
0x7d: {  	_ =	shalt  }
0x7e: {  	_ =	shalt  }
0x7f: {  	_ =	shalt  }
0x80: {  	_ =	shalt  }
0x81: {  	_ =	shalt  }
0x82: {  	_ =	shalt  }
0x83: {  	_ =	shalt  }
0x84: {  	_ =	shalt  }
0x85: {  	_ =	shalt  }
0x86: {  	_ =	shalt  }
0x87: {  	_ =	shalt  }
.Lfunc_end0:
.L_simem_size_0:
called_computation_lowered:
.L_overlay_start_0:
0x88: {  	s2 =	sld [smem:$0x3FD9]  }
0x89: {  	s3 =	sld [smem:$0x3FFE];
	_ =	sdelay $0x1  }
0x8a: {  	s1 =	srdreg.scid  }
0x8b: {  	s0 =	sand.u32 $0x1, s1  }
0x8c: {  	s16 =	sshll.u32 s0, $0xA;
	s2 =	sadd.s32 s3, s2  }
0x8d: {  	s2 =	sadd.s32 s2, s16  }
0x8e: {  	[smem:$0x3FC5] =	sst s2  }
0x8f: {  	_ = 	snop  }
0x90: {  	(tm) =	ssettm $0x1  }
0x91: {  	s17 =	sld [smem:$0x3FFB];
	_ =	sdelay $0x3  }
0x92: {  	_ =	strace s17  }
0x93: {  	s2 =	sld [smem:$0x3FFC];
	_ =	sdelay $0x3  }
0x94: {  	_ =	strace s2  }
0x95: {  	s2 =	sld [smem:$0x3FFD];
	_ =	sdelay $0x3  }
0x96: {  	_ =	strace s2  }
0x97: {  	_ =	strace $0x8FFFFFFF  }
0x98: {  	s18 =	sld [smem:$0x3FDB];
	_ =	sdelay $0x1  }
0x99: {  	s19 =	simm.s32 $_scs_section_size  }
0x9a: {  	s4 =	simm.s32 $_size__tile_overlayer_lowered;
	s5 =	simm.s32 $_tile_overlayer_lowered  }
0x9b: {  	s22 =	simm.s32 $0x1BFF;
	s21 =	sshll.u32 s5, $0x1;
	s2 =	sadd.s32 s19, s18  }
0x9c: {  	s6 =	simm.s32 $0x0;
	s20 =	sshll.u32 s4, $0x1;
	s4 =	sadd.s32 s21, s2  }
0x9d: {  	[timem:s6], [sflag:s22] =	dma.local [hbm:s4], s20  }
0x9e: {  	_ =	swait.ge [sflag:s22], s20  }
0x9f: {  	s3 =	ssub.s32 $0x0, s20;
	[sflag:s22] =	ssyncset.done $0x0  }
0xa0: {  	[sflag:s22] =	ssyncadd.s32 s3;
	_ =	sdelay $0x1  }
0xa1: {  	s23 =	simm.s32 $0x1B8B  }
0xa2: {  	_ =	swait.ge [sflag:s23], $0x1  }
0xa3: {  	[sflag:s23] =	ssyncset.done $0x0  }
0xa4: {  	s25 =	simm.s32 $0x1B8E;
	s24 =	sld [smem:$0x3FFE];
	[sflag:s23] =	ssyncadd.s32 $0xFFFFFFFF  }
0xa5: {  	s26 =	simm.s32 $execute0_lowered;
	[smem:$0x3FD2] =	sst s25  }
0xa6: {  	s4 =	sshll.u32 s26, $0x1;
	_ =	strace $0x80000046;
	[dreg:$0x1] =	wrdreg $0xFFFFFFFF  }
0xa7: {  	s28 =	simm.s32 $_size_execute0_lowered;
	s2 =	sadd.s32 s2, s4;
	[dreg:$0x0] =	wrdreg $0x0  }
0xa8: {  	s4 =	sshll.u32 s28, $0x1;
	[dreg:$0x2] =	wrdreg s2  }
0xa9: {  	[dreg:$0x3] =	wrdreg s4  }
0xaa: {  	[dreg:$0x4] =	wrdreg $0xC0  }
0xab: {  	_ =	task [dreg:s6], $0x5FFFF  }
0xac: {  	[dreg:$0x1] =	wrdreg $0xFFFFFFFF  }
0xad: {  	[dreg:$0x0] =	wrdreg $0x60  }
0xae: {  	[dreg:$0x2] =	wrdreg s24  }
0xaf: {  	[dreg:$0x3] =	wrdreg $0x8000  }
0xb0: {  	[dreg:$0x4] =	wrdreg $0x9  }
0xb1: {  	_ =	task.clear_ibuf [dreg:s6], $0x5FFFF;
	_ =	strace $0x90000046  }
0xb2: {  	s29 =	simm.s32 $0x9;
	_ =	strace $0x80000048  }
0xb3: {  	_ =	swait.ge [sflag:s29], $0x1  }
0xb4: {  	[sflag:s29] =	ssyncadd.s32 $0xFFFFFFFF  }
0xb5: {  	_ =	strace $0x90000048  }
0xb6: {  	_ =	sfence  }
0xb7: {  	s30 =	sld [smem:$0x0];
	_ =	sdelay $0x2  }
0xb8: {  	s31 =	sshll.u32 s1, $0xD;
	s1 =	sshrl.u32 s1, $0x2  }
0xb9: {  	s3 =	sand.u32 $0x4000, s31;
	s1 =	sadd.s32 s1, s30  }
0xba: {  	s0 =	sor.u32 s3, s0;
	s1 =	sshll.u32 s1, $0x11  }
0xbb: {  	s0 =	sor.u32 s1, s0  }
0xbc: {  	s0 =	sadd.s32 $0x8F2B, s0  }
0xbd: {  	[sflag:s0] =	ssyncadd.remote.s32 $0x1  }
0xbe: {  	_ =	sfence.sel $0xFFFF  }
0xbf: {  	[dreg:$0x0] =	wrdreg $0xFFFFFFFF;
	(pc) =	sbr.abs _section_cstart, $3  }
0xc0: {  	[dreg:$0x1] =	wrdreg $0xFFFFFFFF  }
0xc1: {  	_ =	task.clear_ibuf [dreg:s6], $0x2FFFF;
	_ =	strace $0x9FFFFFFF  }
0xc2: {  	(tm) =	ssettm $0x7FFFFFFF  }
0xc3: {  	_ =	shalt  }
tec
execute0_lowered:
.L_overlay_start_1:
0x0: {  	(tag) =	ssettag $0x1  }
0x1: {  	s5 =	rddreg [dreg:$0x0];
	s0 =	srdreg.scid  }
0x2: {  	s1 =	rddreg [dreg:$0x1];
	s13 =	stileid.u32  }
0x3: {  	s2 =	simm.s32 $0x0;
	s8 =	simm.s32 $0x1;
	s16 =	simm.s32 $0x580  }
0x4: {  	s17 =	simm.s32 $0x80;
	s18 =	simm.s32 $0x180;
	s19 =	simm.s32 $0x200  }
0x5: {  	s20 =	simm.s32 $0x100;
	s21 =	simm.s32 $0x280;
	s22 =	simm.s32 $0x300  }
0x6: {  	s23 =	simm.s32 $0x380;
	s24 =	simm.s32 $0x400;
	s25 =	simm.s32 $0x600  }
0x7: {  	s26 =	simm.s32 $0x680;
	s6 =	sand.u32 $0x1, s0;
	s0 =	rddreg [dreg:$0x2]  }
0x8: {  	s28 =	simm.s32 $0x780;
	s7 =	sand.u32 $0x3, s13;
	[smem:$0x7FF] =	sst s2  }
0x9: {  	s29 =	sadd.s32 $0x18400, s5;
	s15 =	sshll.u32 s13, $0x4;
	s3 =	sshll.u32 s6, $0x4  }
0xa: {  	p1 =	sne.s32 s7, $0x0;
	_ =	strace $0x80000047;
	s11 =	ssub.s32 $0x2, s6  }
0xb: {  	s6 =	sshll.u32 s6, $0x1;
	s7 =	sshll.u32 s7, $0x7;
	s3 =	sor.u32 s13, s3  }
0xc: {  	s12 =	sshrl.u32 s11, $0x1;
	s14 =	sadd.s32 s6, s5;
	p0 =	seq.s32 s3, $0x0  }
0xd: {  	s4 =	sshll.u32 s3, $0x4;
	s10 =	sshrl.u32 s3, $0x2;
	p0 =	por !p1, !p0  }
0xe: {  	s3 =	sadd.s32 $0x200, s5;
	s12 =	ssub.s32 s11, s12;
	p0 =	por !p0, !p0  }
0xf: {  	s11 =	sadd.s32 $0x18A00, s14;
	s14 =	simm.s32 $0x480;
	s8 =	simm.s32 @!p0 $0x0  }
0x10: {  	s9 =	sadd.s32 s4, s5;
	s4 =	sadd.s32 $0xC400, s5;
	s8 =	ssub.s32 s10, s8  }
0x11: {  	s5 =	simm.s32 $0x1;
	s12 =	smax.u32 s12, $0x1;
	s8 =	smul.u32 $0x600, s8  }
.Ltmp0:
0x12: {  	s6 =	sadd.s32 $0xC200, s9;
	p0 =	sne.s32 s13, $0x0;
	(pc) =	sbr.rel .LBB2_1-.Ltmp0, $4  }
0x13: {  	s13 =	simm.s32 $0x2;
	s10 =	sadd.s32 s15, s1;
	s8 =	sor.u32 s7, s8  }
0x14: {  	s7 =	sshrl.u32 s8, $0x3;
	s30 =	sadd.s32 $0x200, s8;
	s8 =	sadd.s32 $0x400, s8  }
0x15: {  	s15 =	simm.s32 $0x500;
	s9 =	sshrl.u32 s30, $0x3;
	s31 =	sshrl.u32 s8, $0x3  }
0x16: {  	s7 =	sadd.s32 s29, s7;
	s8 =	sadd.s32 s29, s9;
	s9 =	sadd.s32 s29, s31  }
.LBB2_3:
0x17: {  	s12 =	sadd.s32 $0xFFFFFFFF, s12  }
0x18: {  	p1 =	sne.s32 s12, $0x0  }
.Ltmp1:
0x19: {  	_ = 	snop;
	(pc) =	sbr.rel @!p1 .LBB2_4-.Ltmp1, $1  }
0x1a: {  	_ =	sdelay $0x3  }
.LBB2_1:
0x1b: {  	[tilespmem:s2], [sflag:$0x2] =	stream.linear.gather [hbm4b:s6+s2], $0x80, $0x38;
	[tilespmem:$0x810] =	vst v63  }
0x1c: {  	_ =	swait.ge [sflag:s13], $0x80  }
0x1d: {  	[sflag:s13] =	ssyncset.done $0x0  }
0x1e: {  	[sflag:s13] =	ssyncadd.s32 $0xFFFFFF80  }
0x1f: {  	[tilespmem:s14], [sflag:$0x2] =	stream.linear.gather [hbm4b:s7+s2], $0x80, $0x38;
	[tilespmem:$0x810] =	vst v63  }
0x20: {  	_ =	swait.ge [sflag:s13], $0x80  }
0x21: {  	[sflag:s13] =	ssyncset.done $0x0  }
0x22: {  	[sflag:s13] =	ssyncadd.s32 $0xFFFFFF80  }
0x23: {  	[tilespmem:s15], [sflag:$0x2] =	stream.linear.gather [hbm4b:s8+s2], $0x80, $0x38;
	[tilespmem:$0x810] =	vst v63  }
0x24: {  	_ =	swait.ge [sflag:s13], $0x80  }
0x25: {  	[sflag:s13] =	ssyncset.done $0x0  }
0x26: {  	[sflag:s13] =	ssyncadd.s32 $0xFFFFFF80  }
0x27: {  	[tilespmem:s16], [sflag:$0x2] =	stream.linear.gather [hbm4b:s9+s2], $0x80, $0x38;
	[tilespmem:$0x810] =	vst v63  }
0x28: {  	_ =	swait.ge [sflag:s13], $0x80  }
0x29: {  	[sflag:s13] =	ssyncset.done $0x0  }
0x2a: {  	[sflag:s13] =	ssyncadd.s32 $0xFFFFFF80  }
0x2b: {  	v0 =	vld [tilespmem:$0x0];
	_ =	sdelay $0x1  }
0x2c: {  	v1 =	vld [tilespmem:$0x10];
	_ =	sdelay $0x1  }
0x2d: {  	v2 =	vld [tilespmem:$0x20]  }
0x2e: {  	v3 =	vadd.s32 $0x4000, v0  }
0x2f: {  	v40 =	vld [tilespmem:$0x30];
	v0 =	vadd.s32 $0x8000, v0;
	[tilespmem:$0x80] =	vst v3  }
0x30: {  	v41 =	vadd.s32 $0x4000, v1;
	[tilespmem:$0x100] =	vst v0  }
0x31: {  	v43 =	vld [tilespmem:$0x40];
	v42 =	vadd.s32 $0x8000, v1;
	[tilespmem:$0x90] =	vst v41  }
0x32: {  	v44 =	vadd.s32 $0x4000, v2;
	[tilespmem:$0x110] =	vst v42  }
0x33: {  	v46 =	vld [tilespmem:$0x50];
	v45 =	vadd.s32 $0x8000, v2;
	[tilespmem:$0xA0] =	vst v44  }
0x34: {  	v47 =	vadd.s32 $0x4000, v40;
	[tilespmem:$0x120] =	vst v45  }
0x35: {  	v49 =	vld [tilespmem:$0x60];
	v48 =	vadd.s32 $0x8000, v40;
	[tilespmem:$0xB0] =	vst v47  }
0x36: {  	v50 =	vadd.s32 $0x4000, v43;
	[tilespmem:$0x130] =	vst v48  }
0x37: {  	v52 =	vld [tilespmem:$0x70];
	v51 =	vadd.s32 $0x8000, v43;
	[tilespmem:$0xC0] =	vst v50  }
0x38: {  	v53 =	vadd.s32 $0x4000, v46;
	[tilespmem:$0x140] =	vst v51  }
0x39: {  	v54 =	vadd.s32 $0x8000, v46;
	[tilespmem:$0xD0] =	vst v53  }
0x3a: {  	v55 =	vadd.s32 $0x4000, v49;
	[tilespmem:$0x150] =	vst v54  }
0x3b: {  	v56 =	vadd.s32 $0x8000, v49;
	[tilespmem:$0xE0] =	vst v55  }
0x3c: {  	v57 =	vadd.s32 $0x4000, v52;
	[tilespmem:$0x160] =	vst v56  }
0x3d: {  	v58 =	vadd.s32 $0x8000, v52;
	[tilespmem:$0xF0] =	vst v57  }
0x3e: {  	[tilespmem:$0x170] =	vst v58  }
0x3f: {  	[tilespmem:s18], [sflag:$0x1] =	stream.indirect.gather [hbm4b:s3+s17], $0x1, s2, s17, $0xb8;
	[tilespmem:$0x810] =	vst v63  }
0x40: {  	_ = 	snop  }
0x41: {  	[tilespmem:s19], [sflag:$0x1] =	stream.indirect.gather [hbm4b:s3+s17], $0x1, s17, s17, $0xb8;
	[tilespmem:$0x810] =	vst v63  }
0x42: {  	_ = 	snop  }
0x43: {  	[tilespmem:s21], [sflag:$0x1] =	stream.indirect.gather [hbm4b:s3+s17], $0x1, s20, s17, $0xb8;
	[tilespmem:$0x810] =	vst v63  }
0x44: {  	_ = 	snop  }
0x45: {  	[tilespmem:s22], [sflag:$0x1] =	stream.indirect.gather [hbm4b:s4+s17], $0x1, s2, s17, $0xb8;
	[tilespmem:$0x810] =	vst v63  }
0x46: {  	_ = 	snop  }
0x47: {  	[tilespmem:s23], [sflag:$0x1] =	stream.indirect.gather [hbm4b:s4+s17], $0x1, s17, s17, $0xb8;
	[tilespmem:$0x810] =	vst v63  }
0x48: {  	_ = 	snop  }
0x49: {  	[tilespmem:s24], [sflag:$0x1] =	stream.indirect.gather [hbm4b:s4+s17], $0x1, s20, s17, $0xb8;
	[tilespmem:$0x810] =	vst v63  }
0x4a: {  	_ =	swait.ge [sflag:s5], $0x80  }
0x4b: {  	[sflag:s5] =	ssyncset.done $0x0  }
0x4c: {  	[sflag:s5] =	ssyncadd.s32 $0xFFFFFF80  }
0x4d: {  	_ =	swait.ge [sflag:s5], $0x80  }
0x4e: {  	[sflag:s5] =	ssyncset.done $0x0  }
0x4f: {  	[sflag:s5] =	ssyncadd.s32 $0xFFFFFF80  }
0x50: {  	_ =	swait.ge [sflag:s5], $0x80  }
0x51: {  	[sflag:s5] =	ssyncset.done $0x0  }
0x52: {  	[sflag:s5] =	ssyncadd.s32 $0xFFFFFF80  }
0x53: {  	_ =	swait.ge [sflag:s5], $0x80  }
0x54: {  	[sflag:s5] =	ssyncset.done $0x0  }
0x55: {  	[sflag:s5] =	ssyncadd.s32 $0xFFFFFF80  }
0x56: {  	_ =	swait.ge [sflag:s5], $0x80  }
0x57: {  	[sflag:s5] =	ssyncset.done $0x0  }
0x58: {  	[sflag:s5] =	ssyncadd.s32 $0xFFFFFF80  }
0x59: {  	_ =	swait.ge [sflag:s5], $0x80  }
0x5a: {  	[sflag:s5] =	ssyncset.done $0x0  }
0x5b: {  	[sflag:s5] =	ssyncadd.s32 $0xFFFFFF80  }
0x5c: {  	v59 =	vld [tilespmem:$0x480]  }
0x5d: {  	v60 =	vld [tilespmem:$0x180]  }
0x5e: {  	v61 =	vld [tilespmem:$0x500]  }
0x5f: {  	v62 =	vld [tilespmem:$0x200]  }
0x60: {  	v4 =	vld [tilespmem:$0x580]  }
0x61: {  	v5 =	vld [tilespmem:$0x280]  }
0x62: {  	v6 =	vld [tilespmem:$0x300]  }
0x63: {  	v7 =	vld [tilespmem:$0x380]  }
0x64: {  	v8 =	vld [tilespmem:$0x400]  }
0x65: {  	v9 =	vld [tilespmem:$0x490]  }
0x66: {  	v10 =	vld [tilespmem:$0x190]  }
0x67: {  	v11 =	vld [tilespmem:$0x510]  }
0x68: {  	v12 =	vld [tilespmem:$0x210]  }
0x69: {  	v13 =	vld [tilespmem:$0x590]  }
0x6a: {  	v14 =	vld [tilespmem:$0x290]  }
0x6b: {  	v15 =	vld [tilespmem:$0x310]  }
0x6c: {  	v16 =	vld [tilespmem:$0x390]  }
0x6d: {  	v17 =	vld [tilespmem:$0x410]  }
0x6e: {  	v18 =	vld [tilespmem:$0x4A0]  }
0x6f: {  	v19 =	vld [tilespmem:$0x1A0]  }
0x70: {  	v20 =	vld [tilespmem:$0x520]  }
0x71: {  	v21 =	vld [tilespmem:$0x220]  }
0x72: {  	v22 =	vld [tilespmem:$0x5A0]  }
0x73: {  	v23 =	vld [tilespmem:$0x2A0]  }
0x74: {  	v24 =	vld [tilespmem:$0x320]  }
0x75: {  	v25 =	vld [tilespmem:$0x3A0]  }
0x76: {  	v26 =	vld [tilespmem:$0x420]  }
0x77: {  	v27 =	vld [tilespmem:$0x4B0]  }
0x78: {  	v28 =	vld [tilespmem:$0x1B0]  }
0x79: {  	v36 =	vld [tilespmem:$0x530]  }
0x7a: {  	v37 =	vld [tilespmem:$0x230]  }
0x7b: {  	v30 =	vld [tilespmem:$0x5B0]  }
0x7c: {  	v31 =	vld [tilespmem:$0x2B0]  }
0x7d: {  	v32 =	vld [tilespmem:$0x330]  }
0x7e: {  	v47 =	vld [tilespmem:$0x540]  }
0x7f: {  	v51 =	vld [tilespmem:$0x240]  }
0x80: {  	v53 =	vld [tilespmem:$0x5C0];
	v0 =	vsub.f32 v59, v60;
	v63 =	vsub.f32 v61, v62  }
0x81: {  	v56 =	vld [tilespmem:$0x2C0];
	v4 =	vsub.f32 v4, v5;
	v9 =	vsub.f32 v9, v10  }
0x82: {  	v3 =	vld [tilespmem:$0x340];
	v40 =	vsub.f32 v11, v12;
	v41 =	vsub.f32 v13, v14;
	v38 =	vmul.f32 v0, v0  }
0x83: {  	v33 =	vld [tilespmem:$0x250];
	v18 =	vsub.f32 v18, v19;
	v29 =	vmul.f32 v63, v63;
	v39 =	vmul.f32 v4, v4  }
0x84: {  	v11 =	vld [tilespmem:$0x3B0];
	v44 =	vsub.f32 v20, v21;
	v0 =	vmul.f32 v6, v0;
	v1 =	vmul.f32 v7, v63  }
0x85: {  	v14 =	vld [tilespmem:$0x4C0];
	v48 =	vsub.f32 v22, v23;
	v42 =	vmul.f32 v9, v9;
	v43 =	vmul.f32 v40, v40  }
0x86: {  	v20 =	vld [tilespmem:$0x1C0];
	v57 =	vsub.f32 v27, v28;
	v46 =	vmul.f32 v41, v41;
	v49 =	vmul.f32 v18, v18  }
0x87: {  	v2 =	vsub.f32 v36, v37;
	v62 =	vld [tilespmem:$0x4D0];
	v50 =	vmul.f32 v44, v44;
	v4 =	vmul.f32 v8, v4  }
0x88: {  	v59 =	vsub.f32 v30, v31;
	v31 =	vld [tilespmem:$0x550];
	v55 =	vmul.f32 v48, v48;
	v60 =	vmul.f32 v57, v57  }
0x89: {  	v37 =	vld [tilespmem:$0x5D0];
	v61 =	vmul.f32 v2, v2;
	v9 =	vmul.f32 v15, v9  }
0x8a: {  	v13 =	vsub.f32 v47, v51;
	v6 =	vld [tilespmem:$0x430];
	v10 =	vmul.f32 v16, v40;
	v30 =	vmul.f32 v59, v59  }
0x8b: {  	v63 =	vld [tilespmem:$0x1D0];
	v34 =	vmul.f32 v24, v18;
	v5 =	vadd.f32 v29, v38;
	v45 =	vadd.f32 v43, v42  }
0x8c: {  	v35 =	vmul.f32 v25, v44;
	v40 =	vld [tilespmem:$0x4E0];
	v0 =	vadd.f32 v1, v0;
	v54 =	vadd.f32 v50, v49  }
0x8d: {  	v7 =	vmul.f32 v17, v41;
	v41 =	vld [tilespmem:$0x1E0];
	v27 =	vadd.f32 v61, v60;
	v9 =	vadd.f32 v10, v9  }
0x8e: {  	v44 =	vld [tilespmem:$0x560];
	v17 =	vadd.f32 v35, v34;
	v43 =	vmul.f32 v32, v57;
	v14 =	vsub.f32 v14, v20  }
0x8f: {  	v38 =	vld [tilespmem:$0x2D0];
	v49 =	vmul.f32 v13, v13;
	v10 =	vsub.f32 v31, v33;
	v5 =	vadd.f32 v39, v5  }
0x90: {  	v50 =	vld [tilespmem:$0x2E0];
	v2 =	vmul.f32 v11, v2;
	v52 =	vadd.f32 v46, v45;
	v0 =	vadd.f32 v4, v0  }
0x91: {  	v57 =	vld [tilespmem:$0x270];
	v58 =	vadd.f32 v55, v54;
	v7 =	vadd.f32 v7, v9;
	v5 =	vmax.f32 v5, $1.000000000e-30  }
0x92: {  	v61 =	vld [tilespmem:$0x5F0];
	v39 =	vmul.f32 v26, v48;
	v2 =	vadd.f32 v2, v43;
	(erf) = vrcp.f32 v5  }
0x93: {  	v32 =	vld [tilespmem:$0x3D0];
	v6 =	vmul.f32 v6, v59;
	v48 =	vmul.f32 v14, v14;
	v1 =	vmax.f32 v52, $1.000000000e-30  }
0x94: {  	v4 =	vld [tilespmem:$0x3C0];
	v60 =	vmul.f32 v10, v10;
	(erf) = vrcp.f32 v1;
	v1 =	vmax.f32 v58, $1.000000000e-30  }
0x95: {  	v45 =	vld [tilespmem:$0x260];
	v15 =	vsub.f32 v62, v63;
	v3 =	vmul.f32 v3, v14;
	(erf) = vrcp.f32 v1  }
0x96: {  	v46 =	vld [tilespmem:$0x5E0];
	v0 =	vmul.f32 v0, v0;
	v17 =	vadd.f32 v39, v17;
	v5 =	vsub.f32 v53, v56  }
0x97: {  	v29 =	vld [tilespmem:$0x350];
	v7 =	vmul.f32 v7, v7;
	v2 =	vadd.f32 v6, v2;
	v53 =	vadd.f32 v49, v48  }
0x98: {  	v62 =	vld [tilespmem:$0x2F0];
	v9 =	vsub.f32 v37, v38;
	v59 =	vmul.f32 v15, v15;
	v49 =	vmul.f32 v32, v10  }
0x99: {  	v55 =	vld [tilespmem:$0x1F0];
	v17 =	vmul.f32 v17, v17;
	v1 =	vadd.f32 v30, v27;
	v54 =	vmul.f32 v5, v5  }
0x9a: {  	v52 =	vld [tilespmem:$0x4F0];
	v2 =	vmul.f32 v2, v2;
	v11 =	vsub.f32 v44, v45;
	v12 =	vadd.f32 v60, v59  }
0x9b: {  	v56 =	vld [tilespmem:$0x570];
	v28 =	vmul.f32 v9, v9;
	v8 =	vsub.f32 v46, v50;
	v4 =	vmul.f32 v4, v13;
	v36 =	vpop (erf)  }
0x9c: {  	v46 =	vmul.f32 v29, v15;
	v1 =	vmax.f32 v1, $1.000000000e-30;
	v0 =	vmul.f32 v0, v36  }
0x9d: {  	v18 =	vsub.f32 v61, v62;
	v6 =	vadd.f32 v54, v53;
	(erf) = vrcp.f32 v1;
	v42 =	vpop (erf)  }
0x9e: {  	v1 =	vsub.f32 v40, v41;
	v7 =	vmul.f32 v7, v42;
	v47 =	vpop (erf);
	v0 =	vadd.f32 $0.0e+00, v0  }
0x9f: {  	v33 =	vld [tilespmem:$0x450];
	v31 =	vmul.f32 v11, v11;
	v51 =	vmul.f32 v17, v47;
	v17 =	vsub.f32 v52, v55  }
0xa0: {  	v63 =	vld [tilespmem:$0x440];
	v30 =	vmul.f32 v1, v1;
	v0 =	vadd.f32 v7, v0;
	v7 =	vsub.f32 v56, v57  }
0xa1: {  	v12 =	vadd.f32 v28, v12;
	v35 =	vmul.f32 v8, v8;
	v6 =	vmax.f32 v6, $1.000000000e-30  }
0xa2: {  	v39 =	vld [tilespmem:$0x3E0];
	v34 =	vadd.f32 v31, v30;
	v37 =	vmul.f32 v17, v17;
	v38 =	vmul.f32 v7, v7  }
0xa3: {  	v45 =	vld [tilespmem:$0x370];
	v43 =	vmul.f32 v18, v18;
	v12 =	vmax.f32 v12, $1.000000000e-30;
	(erf) = vrcp.f32 v6  }
0xa4: {  	v36 =	vld [tilespmem:$0x360];
	(erf) = vrcp.f32 v12;
	v40 =	vadd.f32 v35, v34;
	v42 =	vadd.f32 v38, v37  }
0xa5: {  	v48 =	vld [tilespmem:$0x3F0];
	v9 =	vmul.f32 v33, v9;
	v44 =	vmul.f32 v63, v5  }
0xa6: {  	v3 =	vadd.f32 v4, v3;
	v41 =	vld [tilespmem:$0x460];
	v14 =	vmax.f32 v40, $1.000000000e-30;
	v47 =	vadd.f32 v43, v42  }
0xa7: {  	v50 =	vmul.f32 v39, v11;
	v4 =	vadd.f32 v49, v46;
	(erf) = vrcp.f32 v14  }
0xa8: {  	v5 =	vmul.f32 v45, v17;
	v0 =	vadd.f32 v51, v0;
	v51 =	vld [tilespmem:$0x470];
	v52 =	vmax.f32 v47, $1.000000000e-30  }
0xa9: {  	v3 =	vadd.f32 v44, v3;
	v58 =	vpop (erf);
	v1 =	vmul.f32 v36, v1;
	(erf) = vrcp.f32 v52  }
0xaa: {  	v4 =	vadd.f32 v9, v4;
	v2 =	vmul.f32 v2, v58;
	v7 =	vmul.f32 v48, v7  }
0xab: {  	v3 =	vmul.f32 v3, v3;
	v53 =	vmul.f32 v41, v8;
	v1 =	vadd.f32 v50, v1  }
0xac: {  	v4 =	vmul.f32 v4, v4;
	v54 =	vpop (erf);
	v0 =	vadd.f32 v2, v0;
	v56 =	vadd.f32 v7, v5  }
0xad: {  	v55 =	vmul.f32 v3, v54;
	v1 =	vadd.f32 v53, v1;
	v58 =	vpop (erf);
	v57 =	vmul.f32 v51, v18  }
0xae: {  	v59 =	vmul.f32 v4, v58  }
0xaf: {  	v0 =	vadd.f32 v55, v0;
	v1 =	vmul.f32 v1, v1;
	v3 =	vadd.f32 v57, v56  }
0xb0: {  	v60 =	vpop (erf)  }
0xb1: {  	v0 =	vadd.f32 v59, v0;
	v1 =	vmul.f32 v1, v60;
	v61 =	vmul.f32 v3, v3  }
0xb2: {  	v62 =	vpop (erf)  }
0xb3: {  	v0 =	vadd.f32 v1, v0;
	v63 =	vmul.f32 v61, v62;
	_ =	sdelay $0x1  }
0xb4: {  	v0 =	vadd.f32 v63, v0;
	_ =	sdelay $0x1  }
0xb5: {  	[tilespmem:$0x600] =	vst v0  }
0xb6: {  	[spmem:s10] =	stream.linear.scatter [tilespmem:s25], [sflag:$0x2], $0x10, $0x38;
	[tilespmem:$0x810] =	vst v63  }
.Ltmp2:
0xb7: {  	_ =	swait.ge [sflag:s13], $0x10;
	(pc) =	sbr.rel @p0 .LBB2_3-.Ltmp2, $3  }
0xb8: {  	[sflag:s13] =	ssyncset.done $0x0  }
0xb9: {  	[sflag:s13] =	ssyncadd.s32 $0xFFFFFFF0  }
0xba: {  	[bflag:$0x0] =	sbarrier.arrive $0xFFFF;
	_ =	sdelay $0x1  }
0xbb: {  	[tilespmem:s26], [sflag:$0x2] =	stream.linear.gather [spmem:s1], $0x100, $0x38;
	[tilespmem:$0x810] =	vst v63  }
0xbc: {  	_ =	swait.ge [sflag:s13], $0x100  }
0xbd: {  	[sflag:s13] =	ssyncset.done $0x0  }
0xbe: {  	[sflag:s13] =	ssyncadd.s32 $0xFFFFFF00  }
0xbf: {  	v0 =	vld [tilespmem:$0x680]  }
0xc0: {  	v1 =	vld [tilespmem:$0x690];
	_ =	sdelay $0x1  }
0xc1: {  	v2 =	vld [tilespmem:$0x6A0];
	_ =	sdelay $0x1  }
0xc2: {  	v3 =	vld [tilespmem:$0x6B0]  }
0xc3: {  	v0 =	vadd.f32 v1, v0  }
0xc4: {  	v51 =	vld [tilespmem:$0x6C0]  }
0xc5: {  	v0 =	vadd.f32 v2, v0  }
0xc6: {  	v52 =	vld [tilespmem:$0x6D0]  }
0xc7: {  	v0 =	vadd.f32 v3, v0  }
0xc8: {  	v53 =	vld [tilespmem:$0x6E0]  }
0xc9: {  	v0 =	vadd.f32 v51, v0  }
0xca: {  	v54 =	vld [tilespmem:$0x6F0]  }
0xcb: {  	v0 =	vadd.f32 v52, v0  }
0xcc: {  	v55 =	vld [tilespmem:$0x700]  }
0xcd: {  	v0 =	vadd.f32 v53, v0  }
0xce: {  	v56 =	vld [tilespmem:$0x710]  }
0xcf: {  	v0 =	vadd.f32 v54, v0  }
0xd0: {  	v57 =	vld [tilespmem:$0x720]  }
0xd1: {  	v0 =	vadd.f32 v55, v0  }
0xd2: {  	v58 =	vld [tilespmem:$0x730]  }
0xd3: {  	v0 =	vadd.f32 v56, v0  }
0xd4: {  	v59 =	vld [tilespmem:$0x740]  }
0xd5: {  	v0 =	vadd.f32 v57, v0  }
0xd6: {  	v60 =	vld [tilespmem:$0x750]  }
0xd7: {  	v0 =	vadd.f32 v58, v0  }
0xd8: {  	v61 =	vld [tilespmem:$0x760]  }
0xd9: {  	v0 =	vadd.f32 v59, v0  }
0xda: {  	v62 =	vld [tilespmem:$0x770]  }
0xdb: {  	v0 =	vadd.f32 v60, v0;
	_ =	sdelay $0x1  }
0xdc: {  	v0 =	vadd.f32 v61, v0;
	_ =	sdelay $0x1  }
0xdd: {  	v0 =	vadd.f32 v62, v0;
	_ =	sdelay $0x1  }
0xde: {  	(v2sf) =	vpush v0, $0x0  }
0xdf: {  	(v2sf) =	vpush v0, $0x1;
	_ =	sdelay $0x1  }
0xe0: {  	(v2sf) =	vpush v0, $0x2;
	_ =	sdelay $0x1  }
0xe1: {  	(v2sf) =	vpush v0, $0x3;
	_ =	sdelay $0x1  }
0xe2: {  	(v2sf) =	vpush v0, $0x4;
	_ =	sdelay $0x1  }
0xe3: {  	(v2sf) =	vpush v0, $0x5;
	_ =	sdelay $0x1  }
0xe4: {  	(v2sf) =	vpush v0, $0x6;
	_ =	sdelay $0x1  }
0xe5: {  	(v2sf) =	vpush v0, $0x7;
	_ =	sdelay $0x1  }
0xe6: {  	s29 =	spop (v2sf);
	(v2sf) =	vpush v0, $0x8  }
0xe7: {  	s30 =	spop (v2sf)  }
0xe8: {  	(v2sf) =	vpush v0, $0x9;
	s29 =	sadd.f32 s30, s29  }
0xe9: {  	s31 =	spop (v2sf)  }
0xea: {  	(v2sf) =	vpush v0, $0xA;
	s29 =	sadd.f32 s29, s31  }
0xeb: {  	s31 =	spop (v2sf)  }
0xec: {  	(v2sf) =	vpush v0, $0xB;
	s29 =	sadd.f32 s29, s31  }
0xed: {  	s31 =	spop (v2sf)  }
0xee: {  	(v2sf) =	vpush v0, $0xC;
	s29 =	sadd.f32 s29, s31  }
0xef: {  	s31 =	spop (v2sf)  }
0xf0: {  	(v2sf) =	vpush v0, $0xD;
	s29 =	sadd.f32 s29, s31  }
0xf1: {  	s31 =	spop (v2sf)  }
0xf2: {  	(v2sf) =	vpush v0, $0xE;
	s29 =	sadd.f32 s29, s31  }
0xf3: {  	s31 =	spop (v2sf)  }
0xf4: {  	(v2sf) =	vpush v0, $0xF;
	s29 =	sadd.f32 s29, s31  }
0xf5: {  	s31 =	spop (v2sf)  }
0xf6: {  	s29 =	sadd.f32 s29, s31  }
0xf7: {  	s31 =	spop (v2sf)  }
0xf8: {  	s29 =	sadd.f32 s29, s31  }
0xf9: {  	s31 =	spop (v2sf)  }
0xfa: {  	s29 =	sadd.f32 s29, s31  }
0xfb: {  	s31 =	spop (v2sf)  }
0xfc: {  	s29 =	sadd.f32 s29, s31  }
0xfd: {  	s31 =	spop (v2sf)  }
0xfe: {  	s29 =	sadd.f32 s29, s31  }
0xff: {  	s31 =	spop (v2sf)  }
0x100: {  	s29 =	sadd.f32 s29, s31  }
0x101: {  	s31 =	spop (v2sf)  }
0x102: {  	s29 =	sadd.f32 s29, s31  }
0x103: {  	s31 =	spop (v2sf)  }
0x104: {  	s29 =	sadd.f32 s29, s31;
	_ =	sdelay $0x1  }
0x105: {  	s29 =	smul.f32 $2.441406250e-04, s29;
	_ =	sdelay $0x1  }
0x106: {  	v63 =	vmov s29  }
.Ltmp3:
0x107: {  	[tilespmem:$0x780] =	vst v63;
	(pc) =	sbr.rel .LBB2_3-.Ltmp3, $4  }
0x108: {  	[hbm4b:s11+s2] =	stream.linear.scatter [tilespmem:s28], [sflag:$0x2], $0x10, $0x38;
	[tilespmem:$0x810] =	vst v63  }
0x109: {  	_ =	swait.ge [sflag:s13], $0x10  }
0x10a: {  	[sflag:s13] =	ssyncset.done $0x0  }
0x10b: {  	[sflag:s13] =	ssyncadd.s32 $0xFFFFFFF0  }
.LBB2_4:
0x10c: {  	_ =	sfence.sel $0x180000  }
0x10d: {  	[bflag:$0x0] =	sbarrier.arrive $0xFFFF  }
0x10e: {  	_ =	strace $0x90000047  }
0x10f: {  	s0 =	sadd.s32 @!p0 $0x100000, s0;
	[bflag:$0x2] =	sbarrier.arrive $0xFFFF  }
0x110: {  	[sflag:s0] =	ssyncadd.tile.s32 @!p0 $0x1;
	_ =	shalt  }
.Lfunc_end2:
_tile_overlayer_lowered:
.L_overlay_start_2:
0x111: {  	(tag) =	ssettag $0x2  }
0x112: {  	s0 =	rddreg [dreg:$0x0];
	s2 =	stileid.u32  }
0x113: {  	s1 =	rddreg [dreg:$0x1];
	p0 =	sne.s32 s2, $0x0  }
0x114: {  	s3 =	rddreg [dreg:$0x2];
	[bflag:$0x3] =	sbarrier.arrive $0xFFFF;
	s2 =	simm.s32 @!p0 $0x1C02  }
0x115: {  	[timem:s3], [sflag:s2] =	dma.local @!p0 [hbm:s0], s1  }
0x116: {  	s0 =	simm.s32 @!p0 $0x2  }
0x117: {  	_ =	swait.ge @!p0 [sflag:s0], s1  }
0x118: {  	s1 =	ssub.s32 @!p0 $0x0, s1;
	[sflag:s0] =	ssyncset.done @!p0 $0x0  }
0x119: {  	[sflag:s0] =	ssyncadd.s32 @!p0 s1  }
0x11a: {  	[bflag:$0x3] =	sbarrier.arrive $0xFFFF  }
0x11b: {  	_ =	shalt  }

</sc_bundles>
